<compile_context>
chip_gen: v7x
topology: tpu7x:2x2x1
jax: 0.10.2.dev20260603
libtpu: 0.0.44.dev20260713+nightly
codegen_flags: <defaults>
</compile_context>

<pallas_src>
import functools

import jax
import jax.numpy as jnp
from jax import lax
from jax.experimental import pallas as pl
from jax.experimental.pallas import tpu as pltpu
from jax.experimental.pallas import tpu_sc as plsc

SIZE_OUT = 128
N_INPUTS = 64
BATCH = 16384
L = 16
NUM_CORES = 2
NUM_SUBCORES = 16
NW = NUM_CORES * NUM_SUBCORES

S_SC = 2048
ROWS = S_SC // NW
BLK = min(ROWS, 128)
NBLK = ROWS // BLK
UNROLL = 8

TC_ROWS = BATCH - S_SC
TC_BLK = 2048

_mesh = plsc.VectorSubcoreMesh(core_axis_name="c", subcore_axis_name="s")


@functools.partial(
    pl.kernel,
    mesh=_mesh,
    compiler_params=pltpu.CompilerParams(needs_layout_passes=False),
    out_type=jax.ShapeDtypeStruct((S_SC, SIZE_OUT), jnp.float32),
    scratch_types=[
        pltpu.VMEM((BLK, N_INPUTS), jnp.float32),
        pltpu.VMEM((BLK, N_INPUTS), jnp.float32),
        pltpu.VMEM((BLK, SIZE_OUT), jnp.float32),
        pltpu.VMEM((BLK, SIZE_OUT), jnp.float32),
        pltpu.VMEM((N_INPUTS,), jnp.float32),
        pltpu.VMEM((N_INPUTS,), jnp.int32),
        pltpu.SemaphoreType.DMA,
        pltpu.SemaphoreType.DMA,
        pltpu.SemaphoreType.DMA,
        pltpu.SemaphoreType.DMA,
    ],
)
def _sc_scatter(
    x_hbm, w_hbm, ord_hbm, out_hbm,
    x0, x1, o0, o1, w_v, ord_v, si0, si1, so0, so1,
):
    wid = lax.axis_index("s") * NUM_CORES + lax.axis_index("c")
    base = wid * ROWS

    xb, ob = [x0, x1], [o0, o1]
    sin, sout = [si0, si1], [so0, so1]

    in_dma = [None] * NBLK
    out_dma = [None] * NBLK
    in_dma[0] = pltpu.async_copy(x_hbm.at[pl.ds(base, BLK)], xb[0], sin[0])
    pltpu.sync_copy(w_hbm, w_v)
    pltpu.sync_copy(ord_hbm, ord_v)

    n_in_chunks = N_INPUTS // L
    n_out_chunks = SIZE_OUT // L
    w_c = [w_v[pl.ds(c * L, L)] for c in range(n_in_chunks)]
    ord_c = [ord_v[pl.ds(c * L, L)] for c in range(n_in_chunks)]
    zeros = jnp.zeros((L,), jnp.float32)

    def zero_body(r, carry):
        for k in range(n_out_chunks):
            o0[r, pl.ds(k * L, L)] = zeros
            o1[r, pl.ds(k * L, L)] = zeros
        return carry

    lax.fori_loop(0, BLK, zero_body, 0)

    def make_row_loop(x_ref, o_ref):
        def row_body(t, carry):
            for u in range(UNROLL):
                r = t * UNROLL + u
                row_vec = jnp.full((L,), r, jnp.int32)
                for c in range(n_in_chunks):
                    val = x_ref[r, pl.ds(c * L, L)] * w_c[c]
                    plsc.store_scatter(o_ref, [row_vec, ord_c[c]], val)
            return carry

        return row_body

    for b in range(NBLK):
        i = b & 1
        if b + 1 < NBLK:
            in_dma[b + 1] = pltpu.async_copy(
                x_hbm.at[pl.ds(base + (b + 1) * BLK, BLK)], xb[(b + 1) & 1],
                sin[(b + 1) & 1],
            )
        in_dma[b].wait()
        if b >= 2:
            out_dma[b - 2].wait()
        lax.fori_loop(0, BLK // UNROLL, make_row_loop(xb[i], ob[i]), 0)
        out_dma[b] = pltpu.async_copy(
            ob[i], out_hbm.at[pl.ds(base + b * BLK, BLK)], sout[i]
        )

    if NBLK >= 2:
        out_dma[NBLK - 2].wait()
    out_dma[NBLK - 1].wait()


def _tc_body(xt_ref, w_ref, ord_ref, out_ref):
    ordv = ord_ref[...]
    wv = w_ref[...]
    cols = lax.broadcasted_iota(jnp.int32, (N_INPUTS, SIZE_OUT), 1)
    proj = jnp.where(ordv[:, None] == cols, wv[:, None], jnp.float32(0.0))
    out_ref[...] = lax.dot_general(
        xt_ref[...], proj, (((0,), (0,)), ((), ())),
        preferred_element_type=jnp.float32,
    )


_tc_scatter = pl.pallas_call(
    _tc_body,
    grid=(TC_ROWS // TC_BLK,),
    in_specs=[
        pl.BlockSpec((N_INPUTS, TC_BLK), lambda i: (0, S_SC // TC_BLK + i)),
        pl.BlockSpec((N_INPUTS,), lambda i: (0,)),
        pl.BlockSpec((N_INPUTS,), lambda i: (0,)),
    ],
    out_specs=pl.BlockSpec((TC_BLK, SIZE_OUT), lambda i: (S_SC // TC_BLK + i, 0)),
    out_shape=jax.ShapeDtypeStruct((BATCH, SIZE_OUT), jnp.float32),
    compiler_params=pltpu.CompilerParams(fuse_transposed_lhs_in_matmul=True),
)


def kernel(X_in, weights, input_node_order):
    w = weights.astype(jnp.float32)
    order = input_node_order.astype(jnp.int32)
    sc_part = _sc_scatter(X_in[:S_SC], w, order)
    tc_full = _tc_scatter(X_in.T, w, order)
    return lax.dynamic_update_slice(tc_full, sc_part, (0, 0))

# --- scband reference (transcript-rebuilt; emitter-appended) ---
"""Pipeline reference for scband-project-input-31791347925216 (READ-ONLY COPY).

The authoritative reference and input builder live on the scoring server;
editing this copy changes nothing except your own understanding.
"""

import jax, jax.numpy as jnp
import numpy as np

SIZE_OUT = 128
N_INPUTS = 64
BATCH = 16384
PROJECTION_AMPLITUDE = 1.0


def setup_inputs(seed: int = 0) -> dict:
    key = jax.random.key(seed)
    k1 = jax.random.fold_in(key, 1)
    X_in = jax.random.normal(k1, (BATCH, N_INPUTS), dtype=jnp.float32)
    # learned parameter: per-input-node projection weight, initialized to projection_amplitude
    weights = PROJECTION_AMPLITUDE * jnp.ones((N_INPUTS,), dtype=jnp.float32)
    # input_node_order = [node_idx_map[x] for x in input_labels] -> even node indices 0,2,...,126
    input_node_order = jnp.arange(0, SIZE_OUT, 2, dtype=jnp.int32)
    return {"X_in": X_in, "weights": weights, "input_node_order": input_node_order}


def reference(X_in, weights, input_node_order):
    # X_full = zeros([B, size_out]); X_full[:, input_node_order] = weights * X_in
    X_full = jnp.zeros((X_in.shape[0], SIZE_OUT), dtype=X_in.dtype)
    X_full = X_full.at[:, input_node_order].set(weights * X_in)
    return X_full

if __name__ == "__main__":
    import jax
    _d = setup_inputs()
    print(jax.jit(kernel)(*tuple(_d.values())))

</pallas_src>

<mosaic_0001>
#map = affine_map<(d0, d1) -> (0, 0)>
#map1 = affine_map<(d0, d1) -> (0)>
module attributes {stable_mosaic.version = 14 : i64} {
  func.func @_sc_scatter(%arg0: i32, %arg1: i32, %arg2: memref<2048x64xf32, #tpu.memory_space<hbm>>, %arg3: memref<64xf32, #tpu.memory_space<hbm>>, %arg4: memref<64xi32, #tpu.memory_space<hbm>>, %arg5: memref<2048x128xf32, #tpu.memory_space<hbm>>, %arg6: memref<64x64xf32, #tpu.memory_space<vmem>>, %arg7: memref<64x64xf32, #tpu.memory_space<vmem>>, %arg8: memref<64x128xf32, #tpu.memory_space<vmem>>, %arg9: memref<64x128xf32, #tpu.memory_space<vmem>>, %arg10: memref<64xf32, #tpu.memory_space<vmem>>, %arg11: memref<64xi32, #tpu.memory_space<vmem>>, %arg12: memref<!tpu.dma_semaphore, #tpu.memory_space<semaphore_mem>>, %arg13: memref<!tpu.dma_semaphore, #tpu.memory_space<semaphore_mem>>, %arg14: memref<!tpu.dma_semaphore, #tpu.memory_space<semaphore_mem>>, %arg15: memref<!tpu.dma_semaphore, #tpu.memory_space<semaphore_mem>>) attributes {dimension_semantics = [#tpu.dimension_semantics<core_parallel>, #tpu.dimension_semantics<subcore_parallel>], iteration_bounds = array<i64: 2, 16>, scalar_prefetch = 0 : i64, scratch_operands = 10 : i64, tpu.core_type = #tpu.core_type<sc_vector_subcore>, window_params = [{transform_indices = #map}, {transform_indices = #map1}, {transform_indices = #map1}, {transform_indices = #map}]} {
    %mul3A = arith.constant 2 : i32
    %mul3A_0 = arith.muli %arg1, %mul3A : i32
    %add3A = arith.addi %mul3A_0, %arg0 : i32
    %mul3A_1 = arith.constant 64 : i32
    %mul3A_2 = arith.muli %add3A, %mul3A_1 : i32
    %dma_start3A = arith.constant 0 : i32
    %dma_start3A_3 = tpu.memref_slice %arg2[%mul3A_2, %dma_start3A] : memref<2048x64xf32, #tpu.memory_space<hbm>> -> memref<64x64xf32, #tpu.memory_space<hbm>>
    %dma_start3A_4 = arith.constant 0 : i32
    %dma_start3A_5 = tpu.memref_slice %arg2[%mul3A_2, %dma_start3A_4] : memref<2048x64xf32, #tpu.memory_space<hbm>> -> memref<64x64xf32, #tpu.memory_space<hbm>>
    tpu.enqueue_dma source(%dma_start3A_5 : memref<64x64xf32, #tpu.memory_space<hbm>>) target(%arg6 : memref<64x64xf32, #tpu.memory_space<vmem>>) target_semaphore(%arg12 : memref<!tpu.dma_semaphore, #tpu.memory_space<semaphore_mem>>)
    "tpu.region"() ({
      %run_scoped3A = tpu.sem_alloc : memref<!tpu.dma_semaphore, #tpu.memory_space<semaphore_mem>>
      tpu.enqueue_dma source(%arg3 : memref<64xf32, #tpu.memory_space<hbm>>) target(%arg10 : memref<64xf32, #tpu.memory_space<vmem>>) target_semaphore(%run_scoped3A : memref<!tpu.dma_semaphore, #tpu.memory_space<semaphore_mem>>)
      tpu.wait_dma2 semaphore(%run_scoped3A : memref<!tpu.dma_semaphore, #tpu.memory_space<semaphore_mem>>) src(%arg3 : memref<64xf32, #tpu.memory_space<hbm>>) dst(%arg10 : memref<64xf32, #tpu.memory_space<vmem>>)
      tpu.yield
    }) : () -> ()
    "tpu.region"() ({
      %run_scoped3A = tpu.sem_alloc : memref<!tpu.dma_semaphore, #tpu.memory_space<semaphore_mem>>
      tpu.enqueue_dma source(%arg4 : memref<64xi32, #tpu.memory_space<hbm>>) target(%arg11 : memref<64xi32, #tpu.memory_space<vmem>>) target_semaphore(%run_scoped3A : memref<!tpu.dma_semaphore, #tpu.memory_space<semaphore_mem>>)
      tpu.wait_dma2 semaphore(%run_scoped3A : memref<!tpu.dma_semaphore, #tpu.memory_space<semaphore_mem>>) src(%arg4 : memref<64xi32, #tpu.memory_space<hbm>>) dst(%arg11 : memref<64xi32, #tpu.memory_space<vmem>>)
      tpu.yield
    }) : () -> ()
    %get3A = arith.constant 0 : index
    %get3A_6 = tpu.vector_load %arg10[%get3A] {strides = array<i32>} : memref<64xf32, #tpu.memory_space<vmem>>, vector<16xf32>,
    %get3A_7 = arith.constant 16 : index
    %get3A_8 = tpu.vector_load %arg10[%get3A_7] {strides = array<i32>} : memref<64xf32, #tpu.memory_space<vmem>>, vector<16xf32>,
    %get3A_9 = arith.constant 32 : index
    %get3A_10 = tpu.vector_load %arg10[%get3A_9] {strides = array<i32>} : memref<64xf32, #tpu.memory_space<vmem>>, vector<16xf32>,
    %get3A_11 = arith.constant 48 : index
    %get3A_12 = tpu.vector_load %arg10[%get3A_11] {strides = array<i32>} : memref<64xf32, #tpu.memory_space<vmem>>, vector<16xf32>,
    %get3A_13 = arith.constant 0 : index
    %get3A_14 = tpu.vector_load %arg11[%get3A_13] {strides = array<i32>} : memref<64xi32, #tpu.memory_space<vmem>>, vector<16xi32>,
    %get3A_15 = arith.constant 16 : index
    %get3A_16 = tpu.vector_load %arg11[%get3A_15] {strides = array<i32>} : memref<64xi32, #tpu.memory_space<vmem>>, vector<16xi32>,
    %get3A_17 = arith.constant 32 : index
    %get3A_18 = tpu.vector_load %arg11[%get3A_17] {strides = array<i32>} : memref<64xi32, #tpu.memory_space<vmem>>, vector<16xi32>,
    %get3A_19 = arith.constant 48 : index
    %get3A_20 = tpu.vector_load %arg11[%get3A_19] {strides = array<i32>} : memref<64xi32, #tpu.memory_space<vmem>>, vector<16xi32>,
    %broadcast_in_dim3A = arith.constant 0.000000e+00 : f32
    %broadcast_in_dim3A_21 = vector.broadcast %broadcast_in_dim3A : f32 to vector<16xf32>
    %scan3A = arith.constant 0 : i32
    %scan3A_22 = arith.constant 0 : i32
    %scan3A_23 = arith.constant 64 : i32
    %scan3A_24 = arith.addi %scan3A_22, %scan3A_23 : i32
    %scan3A_25 = arith.constant 1 : i32
    scf.for %scan3A_46 = %scan3A_22 to %scan3A_24 step %scan3A_25  : i32 {
      %swap3A = arith.index_cast %scan3A_46 : i32 to index
      %swap3A_47 = arith.constant 0 : index
      %swap3A_48 = tpu.vector_load %arg8[%swap3A, %swap3A_47] {strides = array<i32>} : memref<64x128xf32, #tpu.memory_space<vmem>>, vector<16xf32>,
      tpu.vector_store %arg8[%swap3A, %swap3A_47], %broadcast_in_dim3A_21 {strides = array<i32>} : memref<64x128xf32, #tpu.memory_space<vmem>>, vector<16xf32>,
      %swap3A_49 = arith.index_cast %scan3A_46 : i32 to index
      %swap3A_50 = arith.constant 0 : index
      %swap3A_51 = tpu.vector_load %arg9[%swap3A_49, %swap3A_50] {strides = array<i32>} : memref<64x128xf32, #tpu.memory_space<vmem>>, vector<16xf32>,
      tpu.vector_store %arg9[%swap3A_49, %swap3A_50], %broadcast_in_dim3A_21 {strides = array<i32>} : memref<64x128xf32, #tpu.memory_space<vmem>>, vector<16xf32>,
      %swap3A_52 = arith.index_cast %scan3A_46 : i32 to index
      %swap3A_53 = arith.constant 16 : index
      %swap3A_54 = tpu.vector_load %arg8[%swap3A_52, %swap3A_53] {strides = array<i32>} : memref<64x128xf32, #tpu.memory_space<vmem>>, vector<16xf32>,
      tpu.vector_store %arg8[%swap3A_52, %swap3A_53], %broadcast_in_dim3A_21 {strides = array<i32>} : memref<64x128xf32, #tpu.memory_space<vmem>>, vector<16xf32>,
      %swap3A_55 = arith.index_cast %scan3A_46 : i32 to index
      %swap3A_56 = arith.constant 16 : index
      %swap3A_57 = tpu.vector_load %arg9[%swap3A_55, %swap3A_56] {strides = array<i32>} : memref<64x128xf32, #tpu.memory_space<vmem>>, vector<16xf32>,
      tpu.vector_store %arg9[%swap3A_55, %swap3A_56], %broadcast_in_dim3A_21 {strides = array<i32>} : memref<64x128xf32, #tpu.memory_space<vmem>>, vector<16xf32>,
      %swap3A_58 = arith.index_cast %scan3A_46 : i32 to index
      %swap3A_59 = arith.constant 32 : index
      %swap3A_60 = tpu.vector_load %arg8[%swap3A_58, %swap3A_59] {strides = array<i32>} : memref<64x128xf32, #tpu.memory_space<vmem>>, vector<16xf32>,
      tpu.vector_store %arg8[%swap3A_58, %swap3A_59], %broadcast_in_dim3A_21 {strides = array<i32>} : memref<64x128xf32, #tpu.memory_space<vmem>>, vector<16xf32>,
      %swap3A_61 = arith.index_cast %scan3A_46 : i32 to index
      %swap3A_62 = arith.constant 32 : index
      %swap3A_63 = tpu.vector_load %arg9[%swap3A_61, %swap3A_62] {strides = array<i32>} : memref<64x128xf32, #tpu.memory_space<vmem>>, vector<16xf32>,
      tpu.vector_store %arg9[%swap3A_61, %swap3A_62], %broadcast_in_dim3A_21 {strides = array<i32>} : memref<64x128xf32, #tpu.memory_space<vmem>>, vector<16xf32>,
      %swap3A_64 = arith.index_cast %scan3A_46 : i32 to index
      %swap3A_65 = arith.constant 48 : index
      %swap3A_66 = tpu.vector_load %arg8[%swap3A_64, %swap3A_65] {strides = array<i32>} : memref<64x128xf32, #tpu.memory_space<vmem>>, vector<16xf32>,
      tpu.vector_store %arg8[%swap3A_64, %swap3A_65], %broadcast_in_dim3A_21 {strides = array<i32>} : memref<64x128xf32, #tpu.memory_space<vmem>>, vector<16xf32>,
      %swap3A_67 = arith.index_cast %scan3A_46 : i32 to index
      %swap3A_68 = arith.constant 48 : index
      %swap3A_69 = tpu.vector_load %arg9[%swap3A_67, %swap3A_68] {strides = array<i32>} : memref<64x128xf32, #tpu.memory_space<vmem>>, vector<16xf32>,
      tpu.vector_store %arg9[%swap3A_67, %swap3A_68], %broadcast_in_dim3A_21 {strides = array<i32>} : memref<64x128xf32, #tpu.memory_space<vmem>>, vector<16xf32>,
      %swap3A_70 = arith.index_cast %scan3A_46 : i32 to index
      %swap3A_71 = arith.constant 64 : index
      %swap3A_72 = tpu.vector_load %arg8[%swap3A_70, %swap3A_71] {strides = array<i32>} : memref<64x128xf32, #tpu.memory_space<vmem>>, vector<16xf32>,
      tpu.vector_store %arg8[%swap3A_70, %swap3A_71], %broadcast_in_dim3A_21 {strides = array<i32>} : memref<64x128xf32, #tpu.memory_space<vmem>>, vector<16xf32>,
      %swap3A_73 = arith.index_cast %scan3A_46 : i32 to index
      %swap3A_74 = arith.constant 64 : index
      %swap3A_75 = tpu.vector_load %arg9[%swap3A_73, %swap3A_74] {strides = array<i32>} : memref<64x128xf32, #tpu.memory_space<vmem>>, vector<16xf32>,
      tpu.vector_store %arg9[%swap3A_73, %swap3A_74], %broadcast_in_dim3A_21 {strides = array<i32>} : memref<64x128xf32, #tpu.memory_space<vmem>>, vector<16xf32>,
      %swap3A_76 = arith.index_cast %scan3A_46 : i32 to index
      %swap3A_77 = arith.constant 80 : index
      %swap3A_78 = tpu.vector_load %arg8[%swap3A_76, %swap3A_77] {strides = array<i32>} : memref<64x128xf32, #tpu.memory_space<vmem>>, vector<16xf32>,
      tpu.vector_store %arg8[%swap3A_76, %swap3A_77], %broadcast_in_dim3A_21 {strides = array<i32>} : memref<64x128xf32, #tpu.memory_space<vmem>>, vector<16xf32>,
      %swap3A_79 = arith.index_cast %scan3A_46 : i32 to index
      %swap3A_80 = arith.constant 80 : index
      %swap3A_81 = tpu.vector_load %arg9[%swap3A_79, %swap3A_80] {strides = array<i32>} : memref<64x128xf32, #tpu.memory_space<vmem>>, vector<16xf32>,
      tpu.vector_store %arg9[%swap3A_79, %swap3A_80], %broadcast_in_dim3A_21 {strides = array<i32>} : memref<64x128xf32, #tpu.memory_space<vmem>>, vector<16xf32>,
      %swap3A_82 = arith.index_cast %scan3A_46 : i32 to index
      %swap3A_83 = arith.constant 96 : index
      %swap3A_84 = tpu.vector_load %arg8[%swap3A_82, %swap3A_83] {strides = array<i32>} : memref<64x128xf32, #tpu.memory_space<vmem>>, vector<16xf32>,
      tpu.vector_store %arg8[%swap3A_82, %swap3A_83], %broadcast_in_dim3A_21 {strides = array<i32>} : memref<64x128xf32, #tpu.memory_space<vmem>>, vector<16xf32>,
      %swap3A_85 = arith.index_cast %scan3A_46 : i32 to index
      %swap3A_86 = arith.constant 96 : index
      %swap3A_87 = tpu.vector_load %arg9[%swap3A_85, %swap3A_86] {strides = array<i32>} : memref<64x128xf32, #tpu.memory_space<vmem>>, vector<16xf32>,
      tpu.vector_store %arg9[%swap3A_85, %swap3A_86], %broadcast_in_dim3A_21 {strides = array<i32>} : memref<64x128xf32, #tpu.memory_space<vmem>>, vector<16xf32>,
      %swap3A_88 = arith.index_cast %scan3A_46 : i32 to index
      %swap3A_89 = arith.constant 112 : index
      %swap3A_90 = tpu.vector_load %arg8[%swap3A_88, %swap3A_89] {strides = array<i32>} : memref<64x128xf32, #tpu.memory_space<vmem>>, vector<16xf32>,
      tpu.vector_store %arg8[%swap3A_88, %swap3A_89], %broadcast_in_dim3A_21 {strides = array<i32>} : memref<64x128xf32, #tpu.memory_space<vmem>>, vector<16xf32>,
      %swap3A_91 = arith.index_cast %scan3A_46 : i32 to index
      %swap3A_92 = arith.constant 112 : index
      %swap3A_93 = tpu.vector_load %arg9[%swap3A_91, %swap3A_92] {strides = array<i32>} : memref<64x128xf32, #tpu.memory_space<vmem>>, vector<16xf32>,
      tpu.vector_store %arg9[%swap3A_91, %swap3A_92], %broadcast_in_dim3A_21 {strides = array<i32>} : memref<64x128xf32, #tpu.memory_space<vmem>>, vector<16xf32>,
    }
    %scan3A_26 = arith.constant 64 : i32
    %dma_wait3A = arith.constant 0 : i32
    %dma_wait3A_27 = tpu.memref_slice %arg2[%mul3A_2, %dma_wait3A] : memref<2048x64xf32, #tpu.memory_space<hbm>> -> memref<64x64xf32, #tpu.memory_space<hbm>>
    %dma_wait3A_28 = arith.constant 0 : i32
    %dma_wait3A_29 = tpu.memref_slice %arg2[%mul3A_2, %dma_wait3A_28] : memref<2048x64xf32, #tpu.memory_space<hbm>> -> memref<64x64xf32, #tpu.memory_space<hbm>>
    tpu.wait_dma2 semaphore(%arg12 : memref<!tpu.dma_semaphore, #tpu.memory_space<semaphore_mem>>) src(%dma_wait3A_29 : memref<64x64xf32, #tpu.memory_space<hbm>>) dst(%arg6 : memref<64x64xf32, #tpu.memory_space<vmem>>)
    %scan3A_30 = arith.constant 0 : i32
    %scan3A_31 = arith.constant 0 : i32
    %scan3A_32 = arith.constant 8 : i32
    %scan3A_33 = arith.addi %scan3A_31, %scan3A_32 : i32
    %scan3A_34 = arith.constant 1 : i32
    scf.for %scan3A_46 = %scan3A_31 to %scan3A_33 step %scan3A_34  : i32 {
      %mul3A_47 = arith.constant 8 : i32
      %mul3A_48 = arith.muli %scan3A_46, %mul3A_47 : i32
      %add3A_49 = arith.constant 0 : i32
      %add3A_50 = arith.addi %mul3A_48, %add3A_49 : i32
      %broadcast_in_dim3A_51 = vector.broadcast %add3A_50 : i32 to vector<16xi32>
      %get3A_52 = arith.index_cast %add3A_50 : i32 to index
      %get3A_53 = arith.constant 0 : index
      %get3A_54 = tpu.vector_load %arg6[%get3A_52, %get3A_53] {strides = array<i32>} : memref<64x64xf32, #tpu.memory_space<vmem>>, vector<16xf32>,
      %mul3A_55 = arith.mulf %get3A_54, %get3A_6 : vector<16xf32>
      tpu.vector_store_idx %arg8[%broadcast_in_dim3A_51, %get3A_14], %mul3A_55 : memref<64x128xf32, #tpu.memory_space<vmem>>[vector<16xi32>, vector<16xi32>], vector<16xf32>,
      %get3A_56 = arith.index_cast %add3A_50 : i32 to index
      %get3A_57 = arith.constant 16 : index
      %get3A_58 = tpu.vector_load %arg6[%get3A_56, %get3A_57] {strides = array<i32>} : memref<64x64xf32, #tpu.memory_space<vmem>>, vector<16xf32>,
      %mul3A_59 = arith.mulf %get3A_58, %get3A_8 : vector<16xf32>
      tpu.vector_store_idx %arg8[%broadcast_in_dim3A_51, %get3A_16], %mul3A_59 : memref<64x128xf32, #tpu.memory_space<vmem>>[vector<16xi32>, vector<16xi32>], vector<16xf32>,
      %get3A_60 = arith.index_cast %add3A_50 : i32 to index
      %get3A_61 = arith.constant 32 : index
      %get3A_62 = tpu.vector_load %arg6[%get3A_60, %get3A_61] {strides = array<i32>} : memref<64x64xf32, #tpu.memory_space<vmem>>, vector<16xf32>,
      %mul3A_63 = arith.mulf %get3A_62, %get3A_10 : vector<16xf32>
      tpu.vector_store_idx %arg8[%broadcast_in_dim3A_51, %get3A_18], %mul3A_63 : memref<64x128xf32, #tpu.memory_space<vmem>>[vector<16xi32>, vector<16xi32>], vector<16xf32>,
      %get3A_64 = arith.index_cast %add3A_50 : i32 to index
      %get3A_65 = arith.constant 48 : index
      %get3A_66 = tpu.vector_load %arg6[%get3A_64, %get3A_65] {strides = array<i32>} : memref<64x64xf32, #tpu.memory_space<vmem>>, vector<16xf32>,
      %mul3A_67 = arith.mulf %get3A_66, %get3A_12 : vector<16xf32>
      tpu.vector_store_idx %arg8[%broadcast_in_dim3A_51, %get3A_20], %mul3A_67 : memref<64x128xf32, #tpu.memory_space<vmem>>[vector<16xi32>, vector<16xi32>], vector<16xf32>,
      %mul3A_68 = arith.constant 8 : i32
      %mul3A_69 = arith.muli %scan3A_46, %mul3A_68 : i32
      %add3A_70 = arith.constant 1 : i32
      %add3A_71 = arith.addi %mul3A_69, %add3A_70 : i32
      %broadcast_in_dim3A_72 = vector.broadcast %add3A_71 : i32 to vector<16xi32>
      %get3A_73 = arith.index_cast %add3A_71 : i32 to index
      %get3A_74 = arith.constant 0 : index
      %get3A_75 = tpu.vector_load %arg6[%get3A_73, %get3A_74] {strides = array<i32>} : memref<64x64xf32, #tpu.memory_space<vmem>>, vector<16xf32>,
      %mul3A_76 = arith.mulf %get3A_75, %get3A_6 : vector<16xf32>
      tpu.vector_store_idx %arg8[%broadcast_in_dim3A_72, %get3A_14], %mul3A_76 : memref<64x128xf32, #tpu.memory_space<vmem>>[vector<16xi32>, vector<16xi32>], vector<16xf32>,
      %get3A_77 = arith.index_cast %add3A_71 : i32 to index
      %get3A_78 = arith.constant 16 : index
      %get3A_79 = tpu.vector_load %arg6[%get3A_77, %get3A_78] {strides = array<i32>} : memref<64x64xf32, #tpu.memory_space<vmem>>, vector<16xf32>,
      %mul3A_80 = arith.mulf %get3A_79, %get3A_8 : vector<16xf32>
      tpu.vector_store_idx %arg8[%broadcast_in_dim3A_72, %get3A_16], %mul3A_80 : memref<64x128xf32, #tpu.memory_space<vmem>>[vector<16xi32>, vector<16xi32>], vector<16xf32>,
      %get3A_81 = arith.index_cast %add3A_71 : i32 to index
      %get3A_82 = arith.constant 32 : index
      %get3A_83 = tpu.vector_load %arg6[%get3A_81, %get3A_82] {strides = array<i32>} : memref<64x64xf32, #tpu.memory_space<vmem>>, vector<16xf32>,
      %mul3A_84 = arith.mulf %get3A_83, %get3A_10 : vector<16xf32>
      tpu.vector_store_idx %arg8[%broadcast_in_dim3A_72, %get3A_18], %mul3A_84 : memref<64x128xf32, #tpu.memory_space<vmem>>[vector<16xi32>, vector<16xi32>], vector<16xf32>,
      %get3A_85 = arith.index_cast %add3A_71 : i32 to index
      %get3A_86 = arith.constant 48 : index
      %get3A_87 = tpu.vector_load %arg6[%get3A_85, %get3A_86] {strides = array<i32>} : memref<64x64xf32, #tpu.memory_space<vmem>>, vector<16xf32>,
      %mul3A_88 = arith.mulf %get3A_87, %get3A_12 : vector<16xf32>
      tpu.vector_store_idx %arg8[%broadcast_in_dim3A_72, %get3A_20], %mul3A_88 : memref<64x128xf32, #tpu.memory_space<vmem>>[vector<16xi32>, vector<16xi32>], vector<16xf32>,
      %mul3A_89 = arith.constant 8 : i32
      %mul3A_90 = arith.muli %scan3A_46, %mul3A_89 : i32
      %add3A_91 = arith.constant 2 : i32
      %add3A_92 = arith.addi %mul3A_90, %add3A_91 : i32
      %broadcast_in_dim3A_93 = vector.broadcast %add3A_92 : i32 to vector<16xi32>
      %get3A_94 = arith.index_cast %add3A_92 : i32 to index
      %get3A_95 = arith.constant 0 : index
      %get3A_96 = tpu.vector_load %arg6[%get3A_94, %get3A_95] {strides = array<i32>} : memref<64x64xf32, #tpu.memory_space<vmem>>, vector<16xf32>,
      %mul3A_97 = arith.mulf %get3A_96, %get3A_6 : vector<16xf32>
      tpu.vector_store_idx %arg8[%broadcast_in_dim3A_93, %get3A_14], %mul3A_97 : memref<64x128xf32, #tpu.memory_space<vmem>>[vector<16xi32>, vector<16xi32>], vector<16xf32>,
      %get3A_98 = arith.index_cast %add3A_92 : i32 to index
      %get3A_99 = arith.constant 16 : index
      %get3A_100 = tpu.vector_load %arg6[%get3A_98, %get3A_99] {strides = array<i32>} : memref<64x64xf32, #tpu.memory_space<vmem>>, vector<16xf32>,
      %mul3A_101 = arith.mulf %get3A_100, %get3A_8 : vector<16xf32>
      tpu.vector_store_idx %arg8[%broadcast_in_dim3A_93, %get3A_16], %mul3A_101 : memref<64x128xf32, #tpu.memory_space<vmem>>[vector<16xi32>, vector<16xi32>], vector<16xf32>,
      %get3A_102 = arith.index_cast %add3A_92 : i32 to index
      %get3A_103 = arith.constant 32 : index
      %get3A_104 = tpu.vector_load %arg6[%get3A_102, %get3A_103] {strides = array<i32>} : memref<64x64xf32, #tpu.memory_space<vmem>>, vector<16xf32>,
      %mul3A_105 = arith.mulf %get3A_104, %get3A_10 : vector<16xf32>
      tpu.vector_store_idx %arg8[%broadcast_in_dim3A_93, %get3A_18], %mul3A_105 : memref<64x128xf32, #tpu.memory_space<vmem>>[vector<16xi32>, vector<16xi32>], vector<16xf32>,
      %get3A_106 = arith.index_cast %add3A_92 : i32 to index
      %get3A_107 = arith.constant 48 : index
      %get3A_108 = tpu.vector_load %arg6[%get3A_106, %get3A_107] {strides = array<i32>} : memref<64x64xf32, #tpu.memory_space<vmem>>, vector<16xf32>,
      %mul3A_109 = arith.mulf %get3A_108, %get3A_12 : vector<16xf32>
      tpu.vector_store_idx %arg8[%broadcast_in_dim3A_93, %get3A_20], %mul3A_109 : memref<64x128xf32, #tpu.memory_space<vmem>>[vector<16xi32>, vector<16xi32>], vector<16xf32>,
      %mul3A_110 = arith.constant 8 : i32
      %mul3A_111 = arith.muli %scan3A_46, %mul3A_110 : i32
      %add3A_112 = arith.constant 3 : i32
      %add3A_113 = arith.addi %mul3A_111, %add3A_112 : i32
      %broadcast_in_dim3A_114 = vector.broadcast %add3A_113 : i32 to vector<16xi32>
      %get3A_115 = arith.index_cast %add3A_113 : i32 to index
      %get3A_116 = arith.constant 0 : index
      %get3A_117 = tpu.vector_load %arg6[%get3A_115, %get3A_116] {strides = array<i32>} : memref<64x64xf32, #tpu.memory_space<vmem>>, vector<16xf32>,
      %mul3A_118 = arith.mulf %get3A_117, %get3A_6 : vector<16xf32>
      tpu.vector_store_idx %arg8[%broadcast_in_dim3A_114, %get3A_14], %mul3A_118 : memref<64x128xf32, #tpu.memory_space<vmem>>[vector<16xi32>, vector<16xi32>], vector<16xf32>,
      %get3A_119 = arith.index_cast %add3A_113 : i32 to index
      %get3A_120 = arith.constant 16 : index
      %get3A_121 = tpu.vector_load %arg6[%get3A_119, %get3A_120] {strides = array<i32>} : memref<64x64xf32, #tpu.memory_space<vmem>>, vector<16xf32>,
      %mul3A_122 = arith.mulf %get3A_121, %get3A_8 : vector<16xf32>
      tpu.vector_store_idx %arg8[%broadcast_in_dim3A_114, %get3A_16], %mul3A_122 : memref<64x128xf32, #tpu.memory_space<vmem>>[vector<16xi32>, vector<16xi32>], vector<16xf32>,
      %get3A_123 = arith.index_cast %add3A_113 : i32 to index
      %get3A_124 = arith.constant 32 : index
      %get3A_125 = tpu.vector_load %arg6[%get3A_123, %get3A_124] {strides = array<i32>} : memref<64x64xf32, #tpu.memory_space<vmem>>, vector<16xf32>,
      %mul3A_126 = arith.mulf %get3A_125, %get3A_10 : vector<16xf32>
      tpu.vector_store_idx %arg8[%broadcast_in_dim3A_114, %get3A_18], %mul3A_126 : memref<64x128xf32, #tpu.memory_space<vmem>>[vector<16xi32>, vector<16xi32>], vector<16xf32>,
      %get3A_127 = arith.index_cast %add3A_113 : i32 to index
      %get3A_128 = arith.constant 48 : index
      %get3A_129 = tpu.vector_load %arg6[%get3A_127, %get3A_128] {strides = array<i32>} : memref<64x64xf32, #tpu.memory_space<vmem>>, vector<16xf32>,
      %mul3A_130 = arith.mulf %get3A_129, %get3A_12 : vector<16xf32>
      tpu.vector_store_idx %arg8[%broadcast_in_dim3A_114, %get3A_20], %mul3A_130 : memref<64x128xf32, #tpu.memory_space<vmem>>[vector<16xi32>, vector<16xi32>], vector<16xf32>,
      %mul3A_131 = arith.constant 8 : i32
      %mul3A_132 = arith.muli %scan3A_46, %mul3A_131 : i32
      %add3A_133 = arith.constant 4 : i32
      %add3A_134 = arith.addi %mul3A_132, %add3A_133 : i32
      %broadcast_in_dim3A_135 = vector.broadcast %add3A_134 : i32 to vector<16xi32>
      %get3A_136 = arith.index_cast %add3A_134 : i32 to index
      %get3A_137 = arith.constant 0 : index
      %get3A_138 = tpu.vector_load %arg6[%get3A_136, %get3A_137] {strides = array<i32>} : memref<64x64xf32, #tpu.memory_space<vmem>>, vector<16xf32>,
      %mul3A_139 = arith.mulf %get3A_138, %get3A_6 : vector<16xf32>
      tpu.vector_store_idx %arg8[%broadcast_in_dim3A_135, %get3A_14], %mul3A_139 : memref<64x128xf32, #tpu.memory_space<vmem>>[vector<16xi32>, vector<16xi32>], vector<16xf32>,
      %get3A_140 = arith.index_cast %add3A_134 : i32 to index
      %get3A_141 = arith.constant 16 : index
      %get3A_142 = tpu.vector_load %arg6[%get3A_140, %get3A_141] {strides = array<i32>} : memref<64x64xf32, #tpu.memory_space<vmem>>, vector<16xf32>,
      %mul3A_143 = arith.mulf %get3A_142, %get3A_8 : vector<16xf32>
      tpu.vector_store_idx %arg8[%broadcast_in_dim3A_135, %get3A_16], %mul3A_143 : memref<64x128xf32, #tpu.memory_space<vmem>>[vector<16xi32>, vector<16xi32>], vector<16xf32>,
      %get3A_144 = arith.index_cast %add3A_134 : i32 to index
      %get3A_145 = arith.constant 32 : index
      %get3A_146 = tpu.vector_load %arg6[%get3A_144, %get3A_145] {strides = array<i32>} : memref<64x64xf32, #tpu.memory_space<vmem>>, vector<16xf32>,
      %mul3A_147 = arith.mulf %get3A_146, %get3A_10 : vector<16xf32>
      tpu.vector_store_idx %arg8[%broadcast_in_dim3A_135, %get3A_18], %mul3A_147 : memref<64x128xf32, #tpu.memory_space<vmem>>[vector<16xi32>, vector<16xi32>], vector<16xf32>,
      %get3A_148 = arith.index_cast %add3A_134 : i32 to index
      %get3A_149 = arith.constant 48 : index
      %get3A_150 = tpu.vector_load %arg6[%get3A_148, %get3A_149] {strides = array<i32>} : memref<64x64xf32, #tpu.memory_space<vmem>>, vector<16xf32>,
      %mul3A_151 = arith.mulf %get3A_150, %get3A_12 : vector<16xf32>
      tpu.vector_store_idx %arg8[%broadcast_in_dim3A_135, %get3A_20], %mul3A_151 : memref<64x128xf32, #tpu.memory_space<vmem>>[vector<16xi32>, vector<16xi32>], vector<16xf32>,
      %mul3A_152 = arith.constant 8 : i32
      %mul3A_153 = arith.muli %scan3A_46, %mul3A_152 : i32
      %add3A_154 = arith.constant 5 : i32
      %add3A_155 = arith.addi %mul3A_153, %add3A_154 : i32
      %broadcast_in_dim3A_156 = vector.broadcast %add3A_155 : i32 to vector<16xi32>
      %get3A_157 = arith.index_cast %add3A_155 : i32 to index
      %get3A_158 = arith.constant 0 : index
      %get3A_159 = tpu.vector_load %arg6[%get3A_157, %get3A_158] {strides = array<i32>} : memref<64x64xf32, #tpu.memory_space<vmem>>, vector<16xf32>,
      %mul3A_160 = arith.mulf %get3A_159, %get3A_6 : vector<16xf32>
      tpu.vector_store_idx %arg8[%broadcast_in_dim3A_156, %get3A_14], %mul3A_160 : memref<64x128xf32, #tpu.memory_space<vmem>>[vector<16xi32>, vector<16xi32>], vector<16xf32>,
      %get3A_161 = arith.index_cast %add3A_155 : i32 to index
      %get3A_162 = arith.constant 16 : index
      %get3A_163 = tpu.vector_load %arg6[%get3A_161, %get3A_162] {strides = array<i32>} : memref<64x64xf32, #tpu.memory_space<vmem>>, vector<16xf32>,
      %mul3A_164 = arith.mulf %get3A_163, %get3A_8 : vector<16xf32>
      tpu.vector_store_idx %arg8[%broadcast_in_dim3A_156, %get3A_16], %mul3A_164 : memref<64x128xf32, #tpu.memory_space<vmem>>[vector<16xi32>, vector<16xi32>], vector<16xf32>,
      %get3A_165 = arith.index_cast %add3A_155 : i32 to index
      %get3A_166 = arith.constant 32 : index
      %get3A_167 = tpu.vector_load %arg6[%get3A_165, %get3A_166] {strides = array<i32>} : memref<64x64xf32, #tpu.memory_space<vmem>>, vector<16xf32>,
      %mul3A_168 = arith.mulf %get3A_167, %get3A_10 : vector<16xf32>
      tpu.vector_store_idx %arg8[%broadcast_in_dim3A_156, %get3A_18], %mul3A_168 : memref<64x128xf32, #tpu.memory_space<vmem>>[vector<16xi32>, vector<16xi32>], vector<16xf32>,
      %get3A_169 = arith.index_cast %add3A_155 : i32 to index
      %get3A_170 = arith.constant 48 : index
      %get3A_171 = tpu.vector_load %arg6[%get3A_169, %get3A_170] {strides = array<i32>} : memref<64x64xf32, #tpu.memory_space<vmem>>, vector<16xf32>,
      %mul3A_172 = arith.mulf %get3A_171, %get3A_12 : vector<16xf32>
      tpu.vector_store_idx %arg8[%broadcast_in_dim3A_156, %get3A_20], %mul3A_172 : memref<64x128xf32, #tpu.memory_space<vmem>>[vector<16xi32>, vector<16xi32>], vector<16xf32>,
      %mul3A_173 = arith.constant 8 : i32
      %mul3A_174 = arith.muli %scan3A_46, %mul3A_173 : i32
      %add3A_175 = arith.constant 6 : i32
      %add3A_176 = arith.addi %mul3A_174, %add3A_175 : i32
      %broadcast_in_dim3A_177 = vector.broadcast %add3A_176 : i32 to vector<16xi32>
      %get3A_178 = arith.index_cast %add3A_176 : i32 to index
      %get3A_179 = arith.constant 0 : index
      %get3A_180 = tpu.vector_load %arg6[%get3A_178, %get3A_179] {strides = array<i32>} : memref<64x64xf32, #tpu.memory_space<vmem>>, vector<16xf32>,
      %mul3A_181 = arith.mulf %get3A_180, %get3A_6 : vector<16xf32>
      tpu.vector_store_idx %arg8[%broadcast_in_dim3A_177, %get3A_14], %mul3A_181 : memref<64x128xf32, #tpu.memory_space<vmem>>[vector<16xi32>, vector<16xi32>], vector<16xf32>,
      %get3A_182 = arith.index_cast %add3A_176 : i32 to index
      %get3A_183 = arith.constant 16 : index
      %get3A_184 = tpu.vector_load %arg6[%get3A_182, %get3A_183] {strides = array<i32>} : memref<64x64xf32, #tpu.memory_space<vmem>>, vector<16xf32>,
      %mul3A_185 = arith.mulf %get3A_184, %get3A_8 : vector<16xf32>
      tpu.vector_store_idx %arg8[%broadcast_in_dim3A_177, %get3A_16], %mul3A_185 : memref<64x128xf32, #tpu.memory_space<vmem>>[vector<16xi32>, vector<16xi32>], vector<16xf32>,
      %get3A_186 = arith.index_cast %add3A_176 : i32 to index
      %get3A_187 = arith.constant 32 : index
      %get3A_188 = tpu.vector_load %arg6[%get3A_186, %get3A_187] {strides = array<i32>} : memref<64x64xf32, #tpu.memory_space<vmem>>, vector<16xf32>,
      %mul3A_189 = arith.mulf %get3A_188, %get3A_10 : vector<16xf32>
      tpu.vector_store_idx %arg8[%broadcast_in_dim3A_177, %get3A_18], %mul3A_189 : memref<64x128xf32, #tpu.memory_space<vmem>>[vector<16xi32>, vector<16xi32>], vector<16xf32>,
      %get3A_190 = arith.index_cast %add3A_176 : i32 to index
      %get3A_191 = arith.constant 48 : index
      %get3A_192 = tpu.vector_load %arg6[%get3A_190, %get3A_191] {strides = array<i32>} : memref<64x64xf32, #tpu.memory_space<vmem>>, vector<16xf32>,
      %mul3A_193 = arith.mulf %get3A_192, %get3A_12 : vector<16xf32>
      tpu.vector_store_idx %arg8[%broadcast_in_dim3A_177, %get3A_20], %mul3A_193 : memref<64x128xf32, #tpu.memory_space<vmem>>[vector<16xi32>, vector<16xi32>], vector<16xf32>,
      %mul3A_194 = arith.constant 8 : i32
      %mul3A_195 = arith.muli %scan3A_46, %mul3A_194 : i32
      %add3A_196 = arith.constant 7 : i32
      %add3A_197 = arith.addi %mul3A_195, %add3A_196 : i32
      %broadcast_in_dim3A_198 = vector.broadcast %add3A_197 : i32 to vector<16xi32>
      %get3A_199 = arith.index_cast %add3A_197 : i32 to index
      %get3A_200 = arith.constant 0 : index
      %get3A_201 = tpu.vector_load %arg6[%get3A_199, %get3A_200] {strides = array<i32>} : memref<64x64xf32, #tpu.memory_space<vmem>>, vector<16xf32>,
      %mul3A_202 = arith.mulf %get3A_201, %get3A_6 : vector<16xf32>
      tpu.vector_store_idx %arg8[%broadcast_in_dim3A_198, %get3A_14], %mul3A_202 : memref<64x128xf32, #tpu.memory_space<vmem>>[vector<16xi32>, vector<16xi32>], vector<16xf32>,
      %get3A_203 = arith.index_cast %add3A_197 : i32 to index
      %get3A_204 = arith.constant 16 : index
      %get3A_205 = tpu.vector_load %arg6[%get3A_203, %get3A_204] {strides = array<i32>} : memref<64x64xf32, #tpu.memory_space<vmem>>, vector<16xf32>,
      %mul3A_206 = arith.mulf %get3A_205, %get3A_8 : vector<16xf32>
      tpu.vector_store_idx %arg8[%broadcast_in_dim3A_198, %get3A_16], %mul3A_206 : memref<64x128xf32, #tpu.memory_space<vmem>>[vector<16xi32>, vector<16xi32>], vector<16xf32>,
      %get3A_207 = arith.index_cast %add3A_197 : i32 to index
      %get3A_208 = arith.constant 32 : index
      %get3A_209 = tpu.vector_load %arg6[%get3A_207, %get3A_208] {strides = array<i32>} : memref<64x64xf32, #tpu.memory_space<vmem>>, vector<16xf32>,
      %mul3A_210 = arith.mulf %get3A_209, %get3A_10 : vector<16xf32>
      tpu.vector_store_idx %arg8[%broadcast_in_dim3A_198, %get3A_18], %mul3A_210 : memref<64x128xf32, #tpu.memory_space<vmem>>[vector<16xi32>, vector<16xi32>], vector<16xf32>,
      %get3A_211 = arith.index_cast %add3A_197 : i32 to index
      %get3A_212 = arith.constant 48 : index
      %get3A_213 = tpu.vector_load %arg6[%get3A_211, %get3A_212] {strides = array<i32>} : memref<64x64xf32, #tpu.memory_space<vmem>>, vector<16xf32>,
      %mul3A_214 = arith.mulf %get3A_213, %get3A_12 : vector<16xf32>
      tpu.vector_store_idx %arg8[%broadcast_in_dim3A_198, %get3A_20], %mul3A_214 : memref<64x128xf32, #tpu.memory_space<vmem>>[vector<16xi32>, vector<16xi32>], vector<16xf32>,
    }
    %scan3A_35 = arith.constant 8 : i32
    %add3A_36 = arith.constant 0 : i32
    %add3A_37 = arith.addi %mul3A_2, %add3A_36 : i32
    %dma_start3A_38 = arith.constant 0 : i32
    %dma_start3A_39 = tpu.memref_slice %arg5[%add3A_37, %dma_start3A_38] : memref<2048x128xf32, #tpu.memory_space<hbm>> -> memref<64x128xf32, #tpu.memory_space<hbm>>
    %dma_start3A_40 = arith.constant 0 : i32
    %dma_start3A_41 = tpu.memref_slice %arg5[%add3A_37, %dma_start3A_40] : memref<2048x128xf32, #tpu.memory_space<hbm>> -> memref<64x128xf32, #tpu.memory_space<hbm>>
    tpu.enqueue_dma source(%arg8 : memref<64x128xf32, #tpu.memory_space<vmem>>) target(%dma_start3A_41 : memref<64x128xf32, #tpu.memory_space<hbm>>) target_semaphore(%arg14 : memref<!tpu.dma_semaphore, #tpu.memory_space<semaphore_mem>>)
    %dma_wait3A_42 = arith.constant 0 : i32
    %dma_wait3A_43 = tpu.memref_slice %arg5[%add3A_37, %dma_wait3A_42] : memref<2048x128xf32, #tpu.memory_space<hbm>> -> memref<64x128xf32, #tpu.memory_space<hbm>>
    %dma_wait3A_44 = arith.constant 0 : i32
    %dma_wait3A_45 = tpu.memref_slice %arg5[%add3A_37, %dma_wait3A_44] : memref<2048x128xf32, #tpu.memory_space<hbm>> -> memref<64x128xf32, #tpu.memory_space<hbm>>
    tpu.wait_dma2 semaphore(%arg14 : memref<!tpu.dma_semaphore, #tpu.memory_space<semaphore_mem>>) src(%arg8 : memref<64x128xf32, #tpu.memory_space<vmem>>) dst(%dma_wait3A_45 : memref<64x128xf32, #tpu.memory_space<hbm>>)
    return
  }
}

module attributes {stable_mosaic.version = 14 : i64} {
  func.func @_tc_body(%arg0: i32, %arg1: memref<64x2048xf32, #tpu.memory_space<vmem>>, %arg2: memref<64xf32, #tpu.memory_space<vmem>>, %arg3: memref<64xi32, #tpu.memory_space<vmem>>, %arg4: memref<2048x128xf32, #tpu.memory_space<vmem>>) attributes {dimension_semantics = [#tpu.dimension_semantics<arbitrary>], iteration_bounds = array<i64: 7>, scalar_prefetch = 0 : i64, scratch_operands = 0 : i64, tpu.core_type = #tpu.core_type<tc>, window_params = [{transform_indices = @transform_0, window_bounds = array<i64: 64, 2048>}, {pipeline_mode = #tpu.pipeline_mode<synchronous>, transform_indices = @transform_1, window_bounds = array<i64: 64>}, {pipeline_mode = #tpu.pipeline_mode<synchronous>, transform_indices = @transform_2, window_bounds = array<i64: 64>}, {transform_indices = @transform_3, window_bounds = array<i64: 2048, 128>}]} {
    %get3A = arith.constant 0 : index
    %get3A_0 = vector.load %arg3[%get3A] : memref<64xi32, #tpu.memory_space<vmem>>, vector<64xi32>
    %get3A_1 = arith.constant 0 : index
    %get3A_2 = vector.load %arg2[%get3A_1] : memref<64xf32, #tpu.memory_space<vmem>>, vector<64xf32>
    %iota3A = tpu.iota {dimensions = array<i32: 1>} : vector<64x128xi32>
    %broadcast_in_dim3A = vector.shape_cast %get3A_0 : vector<64xi32> to vector<64x1xi32>
    %eq3A = vector.broadcast %broadcast_in_dim3A : vector<64x1xi32> to vector<64x128xi32>
    %eq3A_3 = arith.cmpi eq, %eq3A, %iota3A : vector<64x128xi32>
    %broadcast_in_dim3A_4 = vector.shape_cast %get3A_2 : vector<64xf32> to vector<64x1xf32>
    %jit3A = arith.constant 0.000000e+00 : f32
    %broadcast_in_dim3A_5 = vector.shape_cast %broadcast_in_dim3A_4 : vector<64x1xf32> to vector<64x1xf32>
    %broadcast_in_dim3A_6 = vector.broadcast %broadcast_in_dim3A_5 : vector<64x1xf32> to vector<64x128xf32>
    %broadcast_in_dim3A_7 = vector.broadcast %jit3A : f32 to vector<64x128xf32>
    %select_n3A = arith.select %eq3A_3, %broadcast_in_dim3A_6, %broadcast_in_dim3A_7 : vector<64x128xi1>, vector<64x128xf32>
    %get3A_8 = arith.constant 0 : index
    %get3A_9 = arith.constant 0 : index
    %get3A_10 = vector.load %arg1[%get3A_8, %get3A_9] : memref<64x2048xf32, #tpu.memory_space<vmem>>, vector<64x2048xf32>
    %dot_general3A = arith.constant dense<0.000000e+00> : vector<2048x128xf32>
    %dot_general3A_11 = tpu.matmul %get3A_10, %select_n3A, %dot_general3A {dimension_numbers = #tpu.dot_dimension_numbers<[0], [0], [1], [1], [0, 1, 1, 1], [], []>, transpose_lhs_hint = true} : vector<64x2048xf32>, vector<64x128xf32>, vector<2048x128xf32> -> vector<2048x128xf32>
    %swap3A = arith.constant 0 : index
    %swap3A_12 = arith.constant 0 : index
    %swap3A_13 = vector.load %arg4[%swap3A, %swap3A_12] : memref<2048x128xf32, #tpu.memory_space<vmem>>, vector<2048x128xf32>
    tpu.vector_store %arg4[%swap3A, %swap3A_12], %dot_general3A_11 {strides = array<i32>} : memref<2048x128xf32, #tpu.memory_space<vmem>>, vector<2048x128xf32>,
    return
  }
  func.func @transform_0(%arg0: i32) -> (i32, i32) {
    %add3A = arith.constant 1 : i32
    %add3A_0 = arith.addi %add3A, %arg0 : i32
    %c0_i32 = arith.constant 0 : i32
    %c0_i32_1 = arith.constant 0 : i32
    return %c0_i32, %add3A_0 : i32, i32
  }
  func.func @transform_1(%arg0: i32) -> i32 {
    %c0_i32 = arith.constant 0 : i32
    %c0_i32_0 = arith.constant 0 : i32
    return %c0_i32 : i32
  }
  func.func @transform_2(%arg0: i32) -> i32 {
    %c0_i32 = arith.constant 0 : i32
    %c0_i32_0 = arith.constant 0 : i32
    return %c0_i32 : i32
  }
  func.func @transform_3(%arg0: i32) -> (i32, i32) {
    %add3A = arith.constant 1 : i32
    %add3A_0 = arith.addi %add3A, %arg0 : i32
    %c0_i32 = arith.constant 0 : i32
    %c0_i32_1 = arith.constant 0 : i32
    return %add3A_0, %c0_i32 : i32, i32
  }
}

</mosaic_0001>

<sc_bundles>
// kernel: kernel.4.cloned.1.call-start
scs
__scs_entry_jumppad:
0x0: {  	(pc) =	sbr.rel $0x88, $3  }
0x1: {  	(tag) =	ssettag $0x0;
	lr =	simm.s32 $0x1  }
0x2: {  	[smem:$0x3F9E] =	sst lr;
	_ =	strace $0xD0000000  }
0x3: {  	_ = 	snop  }
0x4: {  	_ = 	snop  }
0x5: {  	_ = 	snop  }
0x6: {  	_ = 	snop  }
0x7: {  	_ = 	snop  }
__scs_overlays_trampoline_lowered:
0x8: {  	[smem:$0x3FAD] =	sst s0  }
0x9: {  	[smem:$0x3FAE] =	sst s1  }
0xa: {  	[smem:$0x3FAF] =	sst s2  }
0xb: {  	[smem:$0x3FB0] =	sst s3  }
0xc: {  	[smem:$0x3FB1] =	sst s4  }
0xd: {  	[smem:$0x3FB2] =	sst s5  }
0xe: {  	[smem:$0x3FB3] =	sst s6  }
0xf: {  	[smem:$0x3FB4] =	sst s7  }
0x10: {  	[smem:$0x3FB5] =	sst s8  }
0x11: {  	[smem:$0x3FB6] =	sst s9;
	s0 =	simm.s32 @!p0 $0x0  }
0x12: {  	s1 =	sld [smem:$0x3F9C];
	s0 =	simm.s32 @p0 $0x1  }
0x13: {  	[smem:$0x3FB7] =	sst s0;
	s0 =	simm.s32 @!p1 $0x0  }
0x14: {  	s2 =	sld [smem:$0x3F9B];
	s0 =	simm.s32 @p1 $0x1  }
0x15: {  	[smem:$0x3FB8] =	sst s0;
	s0 =	simm.s32 @!p2 $0x0  }
0x16: {  	s3 =	sld [smem:$0x3FDB];
	s0 =	simm.s32 @p2 $0x1  }
0x17: {  	s4 =	simm.s32 $0x1BF5;
	[smem:$0x3FBA] =	sst s0  }
0x18: {  	s0 =	sld [smem:$0x3F9D];
	_ =	swait.ge [sflag:s4], $0x0  }
0x19: {  	s7 =	sld [smem:$0x3F9E]  }
0x1a: {  	s8 =	sadd.s32 $0xFFFFE003, lr  }
0x1b: {  	s9 =	sadd.s32 $0xFFFFFEF7, lr;
	s5 =	simm.s32 $0xFFFFFFFF;
	p2 =	slt.u32 s8, $0xFFFFF086  }
0x1c: {  	p1 =	slt.u32 s9, $0xF7A;
	s5 =	simm.s32 @!p2 $0x0  }
0x1d: {  	s5 =	simm.s32 @p1 $0x1;
	p0 =	seq.s32 s7, s2  }
0x1e: {  	s7 =	smul.u32 @!p0 $0xF7A, s2;
	p2 =	seq.s32 @!p0 s5, $0x0  }
0x1f: {  	s9 =	smul.u32 $0xF7A, s1;
	s8 =	simm.s32 @!p0 $0x1BF5;
	p2 =	por !p2, p0  }
0x20: {  	[sflag:s8] =	ssyncset.s32 @!p0 $0xFFFFF086;
	s6 =	sadd.s32 @!p0 s3, s7;
	s7 =	simm.s32 @!p0 $0x108  }
0x21: {  	s3 =	sadd.s32 s3, s9;
	s6 =	sadd.s32 @!p0 $0x88, s6;
	s7 =	simm.s32 @p2 $0x1082  }
0x22: {  	[simem:s7], [sflag:s8] =	dma.local @!p0 [hbm:s6], $0xF7A  }
0x23: {  	s9 =	sor.u32 $0xD0000000, s2;
	s6 =	simm.s32 $0x108;
	_ =	swait.ge @!p0 [sflag:s8], $0x0  }
0x24: {  	s3 =	sadd.s32 $0x88, s3;
	s6 =	simm.s32 @!p1 $0x1082;
	[sflag:s4] =	ssyncset.s32 $0xFFFFF086  }
0x25: {  	[simem:s6], [sflag:s4] =	dma.local [hbm:s3], $0xF7A  }
0x26: {  	[smem:$0x3F9E] =	sst s1;
	(tag) =	ssettag s2;
	_ =	strace s9  }
0x27: {  	s1 =	sld [smem:$0x3FAE]  }
0x28: {  	s2 =	sld [smem:$0x3FAF]  }
0x29: {  	s4 =	sld [smem:$0x3FB1]  }
0x2a: {  	p0 =	seq.s32 s5, $0x0;
	s5 =	sld [smem:$0x3FB2]  }
0x2b: {  	s6 =	sld [smem:$0x3FB3]  }
0x2c: {  	s7 =	sld [smem:$0x3FB4]  }
0x2d: {  	s3 =	simm.s32 $0x108;
	s8 =	sld [smem:$0x3FB5]  }
0x2e: {  	s3 =	simm.s32 @!p0 $0x1082;
	s9 =	sld [smem:$0x3FB6]  }
0x2f: {  	lr =	sadd.s32 s0, s3;
	s0 =	sld [smem:$0x3FAD]  }
0x30: {  	s3 =	sld [smem:$0x3FB0]  }
0x31: {  	[smem:$0x3FB9] =	sst s10  }
0x32: {  	s10 =	sld [smem:$0x3FB7];
	_ =	sdelay $0x3  }
0x33: {  	p0 =	seq.s32 s10, $0x1;
	s10 =	sld [smem:$0x3FB9];
	_ =	sdelay $0x3  }
0x34: {  	[smem:$0x3FB9] =	sst s10  }
0x35: {  	s10 =	sld [smem:$0x3FB8];
	_ =	sdelay $0x3  }
0x36: {  	p1 =	seq.s32 s10, $0x1;
	s10 =	sld [smem:$0x3FB9];
	_ =	sdelay $0x3  }
0x37: {  	[smem:$0x3FB9] =	sst s10  }
0x38: {  	s10 =	sld [smem:$0x3FBA]  }
0x39: {  	_ = 	snop;
	(pc) =	sbr.ind lr, $3  }
0x3a: {  	_ = 	snop  }
0x3b: {  	_ = 	snop  }
0x3c: {  	p2 =	seq.s32 s10, $0x1;
	s10 =	sld [smem:$0x3FB9]  }
0x3d: {  	_ =	shalt  }
0x3e: {  	_ =	shalt  }
0x3f: {  	_ =	shalt  }
0x40: {  	_ =	shalt  }
0x41: {  	_ =	shalt  }
0x42: {  	_ =	shalt  }
0x43: {  	_ =	shalt  }
0x44: {  	_ =	shalt  }
0x45: {  	_ =	shalt  }
0x46: {  	_ =	shalt  }
0x47: {  	_ =	shalt  }
0x48: {  	_ =	shalt  }
0x49: {  	_ =	shalt  }
0x4a: {  	_ =	shalt  }
0x4b: {  	_ =	shalt  }
0x4c: {  	_ =	shalt  }
0x4d: {  	_ =	shalt  }
0x4e: {  	_ =	shalt  }
0x4f: {  	_ =	shalt  }
0x50: {  	_ =	shalt  }
0x51: {  	_ =	shalt  }
0x52: {  	_ =	shalt  }
0x53: {  	_ =	shalt  }
0x54: {  	_ =	shalt  }
0x55: {  	_ =	shalt  }
0x56: {  	_ =	shalt  }
0x57: {  	_ =	shalt  }
0x58: {  	_ =	shalt  }
0x59: {  	_ =	shalt  }
0x5a: {  	_ =	shalt  }
0x5b: {  	_ =	shalt  }
0x5c: {  	_ =	shalt  }
0x5d: {  	_ =	shalt  }
0x5e: {  	_ =	shalt  }
0x5f: {  	_ =	shalt  }
0x60: {  	_ =	shalt  }
0x61: {  	_ =	shalt  }
0x62: {  	_ =	shalt  }
0x63: {  	_ =	shalt  }
0x64: {  	_ =	shalt  }
0x65: {  	_ =	shalt  }
0x66: {  	_ =	shalt  }
0x67: {  	_ =	shalt  }
0x68: {  	_ =	shalt  }
0x69: {  	_ =	shalt  }
0x6a: {  	_ =	shalt  }
0x6b: {  	_ =	shalt  }
0x6c: {  	_ =	shalt  }
0x6d: {  	_ =	shalt  }
0x6e: {  	_ =	shalt  }
0x6f: {  	_ =	shalt  }
0x70: {  	_ =	shalt  }
0x71: {  	_ =	shalt  }
0x72: {  	_ =	shalt  }
0x73: {  	_ =	shalt  }
0x74: {  	_ =	shalt  }
0x75: {  	_ =	shalt  }
0x76: {  	_ =	shalt  }
0x77: {  	_ =	shalt  }
0x78: {  	_ =	shalt  }
0x79: {  	_ =	shalt  }
0x7a: {  	_ =	shalt  }
0x7b: {  	_ =	shalt  }
0x7c: {  	_ =	shalt  }
0x7d: {  	_ =	shalt  }
0x7e: {  	_ =	shalt  }
0x7f: {  	_ =	shalt  }
0x80: {  	_ =	shalt  }
0x81: {  	_ =	shalt  }
0x82: {  	_ =	shalt  }
0x83: {  	_ =	shalt  }
0x84: {  	_ =	shalt  }
0x85: {  	_ =	shalt  }
0x86: {  	_ =	shalt  }
0x87: {  	_ =	shalt  }
.Lfunc_end0:
.L_simem_size_0:
called_computation_lowered:
.L_overlay_start_0:
0x88: {  	s2 =	sld [smem:$0x3FD9]  }
0x89: {  	s3 =	sld [smem:$0x3FFE];
	_ =	sdelay $0x1  }
0x8a: {  	s1 =	srdreg.scid  }
0x8b: {  	s0 =	sand.u32 $0x1, s1  }
0x8c: {  	s17 =	sshll.u32 s0, $0xA;
	s2 =	sadd.s32 s3, s2  }
0x8d: {  	s2 =	sadd.s32 s2, s17  }
0x8e: {  	[smem:$0x3FC5] =	sst s2  }
0x8f: {  	_ = 	snop  }
0x90: {  	s2 =	sld [smem:$0x3FC8]  }
0x91: {  	s18 =	sld [smem:$0x3FC7];
	(tm) =	ssettm $0x1  }
0x92: {  	s4 =	sld [smem:$0x3FFB];
	_ =	sdelay $0x3  }
0x93: {  	_ =	strace s4  }
0x94: {  	s4 =	sld [smem:$0x3FFC];
	_ =	sdelay $0x3  }
0x95: {  	_ =	strace s4  }
0x96: {  	s4 =	sld [smem:$0x3FFD];
	_ =	sdelay $0x3  }
0x97: {  	_ =	strace s4  }
0x98: {  	_ =	strace $0x8FFFFFFF  }
0x99: {  	s19 =	sld [smem:$0x3FDB];
	_ =	sdelay $0x1  }
0x9a: {  	s5 =	simm.s32 $_scs_section_size  }
0x9b: {  	s6 =	simm.s32 $_size__tile_overlayer_lowered;
	s7 =	simm.s32 $_tile_overlayer_lowered  }
0x9c: {  	s22 =	simm.s32 $0x1BFF;
	s21 =	sshll.u32 s7, $0x1;
	s4 =	sadd.s32 s5, s19  }
0x9d: {  	s8 =	simm.s32 $0x0;
	s20 =	sshll.u32 s6, $0x1;
	s6 =	sadd.s32 s21, s4  }
0x9e: {  	[timem:s8], [sflag:s22] =	dma.local [hbm:s6], s20  }
0x9f: {  	_ =	swait.ge [sflag:s22], s20  }
0xa0: {  	s5 =	ssub.s32 $0x0, s20;
	[sflag:s22] =	ssyncset.done $0x0  }
0xa1: {  	[sflag:s22] =	ssyncadd.s32 s5;
	_ =	sdelay $0x1  }
0xa2: {  	s23 =	simm.s32 $0x1B8B  }
0xa3: {  	_ =	swait.ge [sflag:s23], $0x1  }
0xa4: {  	[sflag:s23] =	ssyncset.done $0x0  }
0xa5: {  	s25 =	simm.s32 $0x1B8E;
	s24 =	sld [smem:$0x3FFE];
	[sflag:s23] =	ssyncadd.s32 $0xFFFFFFFF  }
0xa6: {  	s26 =	simm.s32 $execute0_lowered;
	[smem:$0x3FD2] =	sst s25  }
0xa7: {  	s6 =	sshll.u32 s26, $0x1;
	_ =	strace $0x80000046;
	[dreg:$0x1] =	wrdreg $0xFFFFFFFF  }
0xa8: {  	s28 =	simm.s32 $_size_execute0_lowered;
	s4 =	sadd.s32 s4, s6;
	[dreg:$0x0] =	wrdreg $0x0  }
0xa9: {  	s6 =	sshll.u32 s28, $0x1;
	[dreg:$0x2] =	wrdreg s4  }
0xaa: {  	[dreg:$0x3] =	wrdreg s6  }
0xab: {  	[dreg:$0x4] =	wrdreg $0xC0  }
0xac: {  	_ =	task [dreg:s8], $0x5FFFF  }
0xad: {  	[dreg:$0x1] =	wrdreg $0xFFFFFFFF  }
0xae: {  	[dreg:$0x0] =	wrdreg $0x60  }
0xaf: {  	[dreg:$0x2] =	wrdreg s24  }
0xb0: {  	[dreg:$0x3] =	wrdreg s2  }
0xb1: {  	[dreg:$0x4] =	wrdreg s18  }
0xb2: {  	[dreg:$0x5] =	wrdreg $0x9  }
0xb3: {  	_ =	task.clear_ibuf [dreg:s8], $0x6FFFF;
	_ =	strace $0x90000046  }
0xb4: {  	s29 =	simm.s32 $0x9;
	_ =	strace $0x80000048  }
0xb5: {  	_ =	swait.ge [sflag:s29], $0x1  }
0xb6: {  	[sflag:s29] =	ssyncadd.s32 $0xFFFFFFFF  }
0xb7: {  	_ =	strace $0x90000048  }
0xb8: {  	_ =	sfence  }
0xb9: {  	s30 =	sld [smem:$0x0];
	_ =	sdelay $0x2  }
0xba: {  	s31 =	sshll.u32 s1, $0xD;
	s1 =	sshrl.u32 s1, $0x2  }
0xbb: {  	s3 =	sand.u32 $0x4000, s31;
	s1 =	sadd.s32 s1, s30  }
0xbc: {  	s0 =	sor.u32 s3, s0;
	s1 =	sshll.u32 s1, $0x11  }
0xbd: {  	s0 =	sor.u32 s1, s0  }
0xbe: {  	s0 =	sadd.s32 $0x8F2B, s0  }
0xbf: {  	[sflag:s0] =	ssyncadd.remote.s32 $0x1  }
0xc0: {  	_ =	sfence.sel $0xFFFF  }
0xc1: {  	[dreg:$0x0] =	wrdreg $0xFFFFFFFF;
	(pc) =	sbr.abs _section_cstart, $3  }
0xc2: {  	[dreg:$0x1] =	wrdreg $0xFFFFFFFF  }
0xc3: {  	_ =	task.clear_ibuf [dreg:s8], $0x2FFFF;
	_ =	strace $0x9FFFFFFF  }
0xc4: {  	(tm) =	ssettm $0x7FFFFFFF  }
0xc5: {  	_ =	shalt  }
tec
execute0_lowered:
.L_overlay_start_1:
0x0: {  	(tag) =	ssettag $0x1  }
0x1: {  	s5 =	rddreg [dreg:$0x0]  }
0x2: {  	s2 =	rddreg [dreg:$0x1];
	s0 =	srdreg.scid  }
0x3: {  	s3 =	rddreg [dreg:$0x2];
	s1 =	stileid.u32;
	s4 =	simm.s32 $0x0  }
0x4: {  	s9 =	simm.s32 $0x3;
	s10 =	simm.s32 $0x6080;
	s11 =	simm.s32 $0x1  }
0x5: {  	s12 =	simm.s32 $0x2000;
	s13 =	simm.s32 $0x2;
	s14 =	simm.s32 $0x0  }
0x6: {  	s6 =	sand.u32 $0x1, s0;
	s0 =	rddreg [dreg:$0x3];
	s7 =	sshll.u32 s1, $0xB  }
0x7: {  	[smem:$0x7FF] =	sst s4;
	s8 =	sshll.u32 s6, $0xA;
	s6 =	ssub.s32 $0x2, s6  }
0x8: {  	_ =	strace $0x80000047;
	s7 =	sor.u32 s8, s7;
	s30 =	sshrl.u32 s6, $0x1  }
0x9: {  	s8 =	simm.s32 $0x6000;
	s7 =	sadd.s32 s7, s5;
	s31 =	ssub.s32 s6, s30  }
0xa: {  	v0 =	vimm.f32 $0.0e+00;
	s5 =	sadd.s32 $0xA00, s7;
	s6 =	sadd.s32 $0x8A00, s7;
	s7 =	smax.u32 s31, $0x1  }
.LBB2_1:
0xb: {  	[tilespmem:s4], [sflag:$0x1] =	stream.linear.gather [hbm4b:s5+s4], $0x2000, $0x38;
	[tilespmem:$0x6100] =	vst v63  }
0xc: {  	_ = 	snop  }
0xd: {  	[tilespmem:s8], [sflag:$0x3] =	stream.linear.gather [hbm4b:s2+s4], $0x80, $0x38;
	[tilespmem:$0x6100] =	vst v63  }
0xe: {  	_ =	swait.ge [sflag:s9], $0x80  }
0xf: {  	[sflag:s9] =	ssyncset.done $0x0  }
0x10: {  	[sflag:s9] =	ssyncadd.s32 $0xFFFFFF80  }
0x11: {  	[tilespmem:s10], [sflag:$0x3] =	stream.linear.gather [hbm4b:s3+s4], $0x80, $0x38;
	[tilespmem:$0x6100] =	vst v63  }
0x12: {  	_ =	swait.ge [sflag:s9], $0x80  }
0x13: {  	[sflag:s9] =	ssyncset.done $0x0  }
0x14: {  	[sflag:s9] =	ssyncadd.s32 $0xFFFFFF80  }
0x15: {  	v1 =	vld [tilespmem:$0x6000]  }
0x16: {  	v2 =	vld [tilespmem:$0x6010]  }
0x17: {  	v3 =	vld [tilespmem:$0x6020]  }
0x18: {  	v4 =	vld [tilespmem:$0x6030]  }
0x19: {  	v5 =	vld [tilespmem:$0x6080]  }
0x1a: {  	v6 =	vld [tilespmem:$0x6090]  }
0x1b: {  	v7 =	vld [tilespmem:$0x60A0]  }
0x1c: {  	s15 =	simm.s32 $0x0;
	s16 =	simm.s32 $0x200;
	v8 =	vld [tilespmem:$0x60B0]  }
.LBB2_2:
0x1d: {  	p0 =	sne.s32 s16, $0x7E00;
	[tilespmem:s15+$0x4070] =	vst v0  }
0x1e: {  	[tilespmem:s15+$0x2000] =	vst v0  }
0x1f: {  	[tilespmem:s15+$0x4000] =	vst v0  }
0x20: {  	[tilespmem:s15+$0x2010] =	vst v0  }
0x21: {  	[tilespmem:s15+$0x4010] =	vst v0  }
0x22: {  	[tilespmem:s15+$0x2020] =	vst v0  }
0x23: {  	[tilespmem:s15+$0x4020] =	vst v0  }
0x24: {  	[tilespmem:s15+$0x2030] =	vst v0  }
0x25: {  	[tilespmem:s15+$0x4030] =	vst v0  }
0x26: {  	[tilespmem:s15+$0x2040] =	vst v0  }
0x27: {  	[tilespmem:s15+$0x4040] =	vst v0  }
.Ltmp0:
0x28: {  	[tilespmem:s15+$0x2050] =	vst v0;
	(pc) =	sbr.rel @p0 .LBB2_2-.Ltmp0, $4  }
0x29: {  	[tilespmem:s15+$0x4050] =	vst v0  }
0x2a: {  	[tilespmem:s15+$0x2060] =	vst v0  }
0x2b: {  	[tilespmem:s15+$0x4060] =	vst v0  }
0x2c: {  	[tilespmem:s15+$0x2070] =	vst v0;
	s15 =	sshra.s32 s16, $0x2;
	s16 =	sadd.s32 $0x200, s16  }
0x2d: {  	[tilespmem:s15+$0x4070] =	vst v0  }
0x2e: {  	[tilespmem:s15+$0x2000] =	vst v0  }
0x2f: {  	[tilespmem:s15+$0x4000] =	vst v0  }
0x30: {  	[tilespmem:s15+$0x2010] =	vst v0  }
0x31: {  	[tilespmem:s15+$0x4010] =	vst v0  }
0x32: {  	[tilespmem:s15+$0x2020] =	vst v0  }
0x33: {  	[tilespmem:s15+$0x4020] =	vst v0  }
0x34: {  	[tilespmem:s15+$0x2030] =	vst v0  }
0x35: {  	[tilespmem:s15+$0x4030] =	vst v0  }
0x36: {  	[tilespmem:s15+$0x2040] =	vst v0  }
0x37: {  	[tilespmem:s15+$0x4040] =	vst v0  }
0x38: {  	[tilespmem:s15+$0x2050] =	vst v0  }
0x39: {  	[tilespmem:s15+$0x4050] =	vst v0  }
0x3a: {  	[tilespmem:s15+$0x2060] =	vst v0  }
0x3b: {  	[tilespmem:s15+$0x4060] =	vst v0  }
0x3c: {  	[tilespmem:s15+$0x2070] =	vst v0  }
0x3d: {  	_ =	swait.ge [sflag:s11], $0x2000  }
0x3e: {  	[sflag:s11] =	ssyncset.done $0x0  }
0x3f: {  	s15 =	simm.s32 $0x200;
	[sflag:s11] =	ssyncadd.s32 $0xFFFFE000  }
0x40: {  	v9 =	vld [tilespmem:s15+$0xFFFFFE00]  }
0x41: {  	s16 =	simm.s32 $0x0  }
0x42: {  	v10 =	vadd.s32 s16, v5;
	_ =	sdelay $0x2  }
0x43: {  	v9 =	vmul.f32 v9, v1;
	_ =	sdelay $0x1  }
0x44: {  	[tilespmem:v10+s12+$0x0] =	vst.idx.msk $0xffff, v9  }
0x45: {  	v9 =	vld [tilespmem:s15+$0xFFFFFE10];
	_ =	sdelay $0x1  }
0x46: {  	v10 =	vadd.s32 s16, v6;
	_ =	sdelay $0x2  }
0x47: {  	v9 =	vmul.f32 v9, v2;
	_ =	sdelay $0x1  }
0x48: {  	[tilespmem:v10+s12+$0x0] =	vst.idx.msk $0xffff, v9  }
0x49: {  	v9 =	vld [tilespmem:s15+$0xFFFFFE20];
	_ =	sdelay $0x1  }
0x4a: {  	v10 =	vadd.s32 s16, v7;
	_ =	sdelay $0x2  }
0x4b: {  	v9 =	vmul.f32 v9, v3;
	_ =	sdelay $0x1  }
0x4c: {  	[tilespmem:v10+s12+$0x0] =	vst.idx.msk $0xffff, v9  }
0x4d: {  	v9 =	vld [tilespmem:s15+$0xFFFFFE30];
	_ =	sdelay $0x1  }
0x4e: {  	v10 =	vadd.s32 s16, v8;
	_ =	sdelay $0x2  }
0x4f: {  	v9 =	vmul.f32 v9, v4;
	_ =	sdelay $0x1  }
0x50: {  	[tilespmem:v10+s12+$0x0] =	vst.idx.msk $0xffff, v9  }
0x51: {  	v9 =	vld [tilespmem:s15+$0xFFFFFE80]  }
0x52: {  	s25 =	simm.s32 $0x80  }
0x53: {  	v10 =	vadd.s32 s25, v5;
	_ =	sdelay $0x2  }
0x54: {  	v9 =	vmul.f32 v9, v1;
	_ =	sdelay $0x1  }
0x55: {  	[tilespmem:v10+s12+$0x0] =	vst.idx.msk $0xffff, v9  }
0x56: {  	v9 =	vld [tilespmem:s15+$0xFFFFFE90];
	_ =	sdelay $0x1  }
0x57: {  	v10 =	vadd.s32 s25, v6;
	_ =	sdelay $0x2  }
0x58: {  	v9 =	vmul.f32 v9, v2;
	_ =	sdelay $0x1  }
0x59: {  	[tilespmem:v10+s12+$0x0] =	vst.idx.msk $0xffff, v9  }
0x5a: {  	v9 =	vld [tilespmem:s15+$0xFFFFFEA0];
	_ =	sdelay $0x1  }
0x5b: {  	v10 =	vadd.s32 s25, v7;
	_ =	sdelay $0x2  }
0x5c: {  	v9 =	vmul.f32 v9, v3;
	_ =	sdelay $0x1  }
0x5d: {  	[tilespmem:v10+s12+$0x0] =	vst.idx.msk $0xffff, v9  }
0x5e: {  	v9 =	vld [tilespmem:s15+$0xFFFFFEB0];
	_ =	sdelay $0x1  }
0x5f: {  	v10 =	vadd.s32 s25, v8;
	_ =	sdelay $0x2  }
0x60: {  	v9 =	vmul.f32 v9, v4;
	_ =	sdelay $0x1  }
0x61: {  	[tilespmem:v10+s12+$0x0] =	vst.idx.msk $0xffff, v9  }
0x62: {  	v9 =	vld [tilespmem:s15+$0xFFFFFF00]  }
0x63: {  	s26 =	simm.s32 $0x100  }
0x64: {  	v10 =	vadd.s32 s26, v5;
	_ =	sdelay $0x2  }
0x65: {  	v9 =	vmul.f32 v9, v1;
	_ =	sdelay $0x1  }
0x66: {  	[tilespmem:v10+s12+$0x0] =	vst.idx.msk $0xffff, v9  }
0x67: {  	v9 =	vld [tilespmem:s15+$0xFFFFFF10];
	_ =	sdelay $0x1  }
0x68: {  	v10 =	vadd.s32 s26, v6;
	_ =	sdelay $0x2  }
0x69: {  	v9 =	vmul.f32 v9, v2;
	_ =	sdelay $0x1  }
0x6a: {  	[tilespmem:v10+s12+$0x0] =	vst.idx.msk $0xffff, v9  }
0x6b: {  	v9 =	vld [tilespmem:s15+$0xFFFFFF20];
	_ =	sdelay $0x1  }
0x6c: {  	v10 =	vadd.s32 s26, v7;
	_ =	sdelay $0x2  }
0x6d: {  	v9 =	vmul.f32 v9, v3;
	_ =	sdelay $0x1  }
0x6e: {  	[tilespmem:v10+s12+$0x0] =	vst.idx.msk $0xffff, v9  }
0x6f: {  	v9 =	vld [tilespmem:s15+$0xFFFFFF30];
	_ =	sdelay $0x1  }
0x70: {  	v10 =	vadd.s32 s26, v8;
	_ =	sdelay $0x2  }
0x71: {  	v9 =	vmul.f32 v9, v4;
	_ =	sdelay $0x1  }
0x72: {  	[tilespmem:v10+s12+$0x0] =	vst.idx.msk $0xffff, v9  }
0x73: {  	v9 =	vld [tilespmem:s15+$0xFFFFFF80]  }
0x74: {  	s28 =	simm.s32 $0x180  }
0x75: {  	v10 =	vadd.s32 s28, v5;
	_ =	sdelay $0x2  }
0x76: {  	v9 =	vmul.f32 v9, v1;
	_ =	sdelay $0x1  }
0x77: {  	[tilespmem:v10+s12+$0x0] =	vst.idx.msk $0xffff, v9  }
0x78: {  	v9 =	vld [tilespmem:s15+$0xFFFFFF90];
	_ =	sdelay $0x1  }
0x79: {  	v10 =	vadd.s32 s28, v6;
	_ =	sdelay $0x2  }
0x7a: {  	v9 =	vmul.f32 v9, v2;
	_ =	sdelay $0x1  }
0x7b: {  	[tilespmem:v10+s12+$0x0] =	vst.idx.msk $0xffff, v9  }
0x7c: {  	v9 =	vld [tilespmem:s15+$0xFFFFFFA0];
	_ =	sdelay $0x1  }
0x7d: {  	v10 =	vadd.s32 s28, v7;
	_ =	sdelay $0x2  }
0x7e: {  	v9 =	vmul.f32 v9, v3;
	_ =	sdelay $0x1  }
0x7f: {  	[tilespmem:v10+s12+$0x0] =	vst.idx.msk $0xffff, v9  }
0x80: {  	v9 =	vld [tilespmem:s15+$0xFFFFFFB0];
	_ =	sdelay $0x1  }
0x81: {  	v10 =	vadd.s32 s28, v8;
	_ =	sdelay $0x2  }
0x82: {  	v9 =	vmul.f32 v9, v4;
	_ =	sdelay $0x1  }
0x83: {  	[tilespmem:v10+s12+$0x0] =	vst.idx.msk $0xffff, v9  }
0x84: {  	v9 =	vld [tilespmem:s15+$0x0]  }
0x85: {  	s29 =	simm.s32 $0x200  }
0x86: {  	v10 =	vadd.s32 s29, v5;
	_ =	sdelay $0x2  }
0x87: {  	v9 =	vmul.f32 v9, v1;
	_ =	sdelay $0x1  }
0x88: {  	[tilespmem:v10+s12+$0x0] =	vst.idx.msk $0xffff, v9  }
0x89: {  	v9 =	vld [tilespmem:s15+$0x10];
	_ =	sdelay $0x1  }
0x8a: {  	v10 =	vadd.s32 s29, v6;
	_ =	sdelay $0x2  }
0x8b: {  	v9 =	vmul.f32 v9, v2;
	_ =	sdelay $0x1  }
0x8c: {  	[tilespmem:v10+s12+$0x0] =	vst.idx.msk $0xffff, v9  }
0x8d: {  	v9 =	vld [tilespmem:s15+$0x20];
	_ =	sdelay $0x1  }
0x8e: {  	v10 =	vadd.s32 s29, v7;
	_ =	sdelay $0x2  }
0x8f: {  	v9 =	vmul.f32 v9, v3;
	_ =	sdelay $0x1  }
0x90: {  	[tilespmem:v10+s12+$0x0] =	vst.idx.msk $0xffff, v9  }
0x91: {  	v9 =	vld [tilespmem:s15+$0x30];
	_ =	sdelay $0x1  }
0x92: {  	v10 =	vadd.s32 s29, v8;
	_ =	sdelay $0x2  }
0x93: {  	v9 =	vmul.f32 v9, v4;
	_ =	sdelay $0x1  }
0x94: {  	[tilespmem:v10+s12+$0x0] =	vst.idx.msk $0xffff, v9  }
0x95: {  	v9 =	vld [tilespmem:s15+$0x80]  }
0x96: {  	s30 =	simm.s32 $0x280  }
0x97: {  	v10 =	vadd.s32 s30, v5;
	_ =	sdelay $0x2  }
0x98: {  	v9 =	vmul.f32 v9, v1;
	_ =	sdelay $0x1  }
0x99: {  	[tilespmem:v10+s12+$0x0] =	vst.idx.msk $0xffff, v9  }
0x9a: {  	v9 =	vld [tilespmem:s15+$0x90];
	_ =	sdelay $0x1  }
0x9b: {  	v10 =	vadd.s32 s30, v6;
	_ =	sdelay $0x2  }
0x9c: {  	v9 =	vmul.f32 v9, v2;
	_ =	sdelay $0x1  }
0x9d: {  	[tilespmem:v10+s12+$0x0] =	vst.idx.msk $0xffff, v9  }
0x9e: {  	v9 =	vld [tilespmem:s15+$0xA0];
	_ =	sdelay $0x1  }
0x9f: {  	v10 =	vadd.s32 s30, v7;
	_ =	sdelay $0x2  }
0xa0: {  	v9 =	vmul.f32 v9, v3;
	_ =	sdelay $0x1  }
0xa1: {  	[tilespmem:v10+s12+$0x0] =	vst.idx.msk $0xffff, v9  }
0xa2: {  	v9 =	vld [tilespmem:s15+$0xB0];
	_ =	sdelay $0x1  }
0xa3: {  	v10 =	vadd.s32 s30, v8;
	_ =	sdelay $0x2  }
0xa4: {  	v9 =	vmul.f32 v9, v4;
	_ =	sdelay $0x1  }
0xa5: {  	[tilespmem:v10+s12+$0x0] =	vst.idx.msk $0xffff, v9  }
0xa6: {  	v9 =	vld [tilespmem:s15+$0x100]  }
0xa7: {  	s31 =	simm.s32 $0x300  }
0xa8: {  	v10 =	vadd.s32 s31, v5;
	_ =	sdelay $0x2  }
0xa9: {  	v9 =	vmul.f32 v9, v1;
	_ =	sdelay $0x1  }
0xaa: {  	[tilespmem:v10+s12+$0x0] =	vst.idx.msk $0xffff, v9  }
0xab: {  	v9 =	vld [tilespmem:s15+$0x110];
	_ =	sdelay $0x1  }
0xac: {  	v10 =	vadd.s32 s31, v6;
	_ =	sdelay $0x2  }
0xad: {  	v9 =	vmul.f32 v9, v2;
	_ =	sdelay $0x1  }
0xae: {  	[tilespmem:v10+s12+$0x0] =	vst.idx.msk $0xffff, v9  }
0xaf: {  	v9 =	vld [tilespmem:s15+$0x120];
	_ =	sdelay $0x1  }
0xb0: {  	v10 =	vadd.s32 s31, v7;
	_ =	sdelay $0x2  }
0xb1: {  	v9 =	vmul.f32 v9, v3;
	_ =	sdelay $0x1  }
0xb2: {  	[tilespmem:v10+s12+$0x0] =	vst.idx.msk $0xffff, v9  }
0xb3: {  	v9 =	vld [tilespmem:s15+$0x130];
	_ =	sdelay $0x1  }
0xb4: {  	v10 =	vadd.s32 s31, v8;
	_ =	sdelay $0x2  }
0xb5: {  	v9 =	vmul.f32 v9, v4;
	_ =	sdelay $0x1  }
0xb6: {  	[tilespmem:v10+s12+$0x0] =	vst.idx.msk $0xffff, v9  }
0xb7: {  	v9 =	vld [tilespmem:s15+$0x180]  }
0xb8: {  	s17 =	simm.s32 $0x380  }
0xb9: {  	v10 =	vadd.s32 s17, v5;
	_ =	sdelay $0x2  }
0xba: {  	v9 =	vmul.f32 v9, v1;
	_ =	sdelay $0x1  }
0xbb: {  	[tilespmem:v10+s12+$0x0] =	vst.idx.msk $0xffff, v9  }
0xbc: {  	v9 =	vld [tilespmem:s15+$0x190];
	_ =	sdelay $0x1  }
0xbd: {  	v10 =	vadd.s32 s17, v6;
	_ =	sdelay $0x2  }
0xbe: {  	v9 =	vmul.f32 v9, v2;
	_ =	sdelay $0x1  }
0xbf: {  	[tilespmem:v10+s12+$0x0] =	vst.idx.msk $0xffff, v9  }
0xc0: {  	v9 =	vld [tilespmem:s15+$0x1A0];
	_ =	sdelay $0x1  }
0xc1: {  	v10 =	vadd.s32 s17, v7;
	_ =	sdelay $0x2  }
0xc2: {  	v9 =	vmul.f32 v9, v3;
	_ =	sdelay $0x1  }
0xc3: {  	[tilespmem:v10+s12+$0x0] =	vst.idx.msk $0xffff, v9  }
0xc4: {  	v10 =	vld [tilespmem:s15+$0x1B0];
	_ =	sdelay $0x1  }
0xc5: {  	v9 =	vadd.s32 s17, v8;
	_ =	sdelay $0x2  }
0xc6: {  	s16 =	simm.s32 $0xF;
	v10 =	vmul.f32 v10, v4  }
.LBB2_4:
0xc7: {  	p0 =	sne.s32 s16, $0x3F  }
0xc8: {  	s15 =	sadd.s32 $0x400, s15;
	s17 =	smov.u32 s16;
	s16 =	sadd.s32 $0x8, s16;
	[tilespmem:v9+s12+$0x0] =	vst.idx.msk $0xffff, v10  }
0xc9: {  	s17 =	sshll.u32 s17, $0x7;
	v9 =	vld [tilespmem:s15+$0xFFFFFE00]  }
0xca: {  	s24 =	sadd.s32 $0xFFFFFC80, s17;
	s23 =	sadd.s32 $0xFFFFFD00, s17;
	s22 =	sadd.s32 $0xFFFFFD80, s17  }
0xcb: {  	s21 =	sadd.s32 $0xFFFFFE00, s17;
	s20 =	sadd.s32 $0xFFFFFE80, s17;
	s19 =	sadd.s32 $0xFFFFFF00, s17;
	v10 =	vadd.s32 s24, v5  }
0xcc: {  	s18 =	sadd.s32 $0xFFFFFF80, s17;
	_ =	sdelay $0x1  }
0xcd: {  	v9 =	vmul.f32 v9, v1;
	_ =	sdelay $0x1  }
0xce: {  	[tilespmem:v10+s12+$0x0] =	vst.idx.msk $0xffff, v9  }
0xcf: {  	v9 =	vld [tilespmem:s15+$0xFFFFFE10];
	_ =	sdelay $0x1  }
0xd0: {  	v10 =	vadd.s32 s24, v6;
	_ =	sdelay $0x2  }
0xd1: {  	v9 =	vmul.f32 v9, v2;
	_ =	sdelay $0x1  }
0xd2: {  	[tilespmem:v10+s12+$0x0] =	vst.idx.msk $0xffff, v9  }
0xd3: {  	v9 =	vld [tilespmem:s15+$0xFFFFFE20];
	_ =	sdelay $0x1  }
0xd4: {  	v10 =	vadd.s32 s24, v7;
	_ =	sdelay $0x2  }
0xd5: {  	v9 =	vmul.f32 v9, v3;
	_ =	sdelay $0x1  }
0xd6: {  	[tilespmem:v10+s12+$0x0] =	vst.idx.msk $0xffff, v9  }
0xd7: {  	v9 =	vld [tilespmem:s15+$0xFFFFFE30];
	_ =	sdelay $0x1  }
0xd8: {  	v10 =	vadd.s32 s24, v8;
	_ =	sdelay $0x2  }
0xd9: {  	v9 =	vmul.f32 v9, v4;
	_ =	sdelay $0x1  }
0xda: {  	[tilespmem:v10+s12+$0x0] =	vst.idx.msk $0xffff, v9  }
0xdb: {  	v9 =	vld [tilespmem:s15+$0xFFFFFE80];
	_ =	sdelay $0x1  }
0xdc: {  	v10 =	vadd.s32 s23, v5;
	_ =	sdelay $0x2  }
0xdd: {  	v9 =	vmul.f32 v9, v1;
	_ =	sdelay $0x1  }
0xde: {  	[tilespmem:v10+s12+$0x0] =	vst.idx.msk $0xffff, v9  }
0xdf: {  	v9 =	vld [tilespmem:s15+$0xFFFFFE90];
	_ =	sdelay $0x1  }
0xe0: {  	v10 =	vadd.s32 s23, v6;
	_ =	sdelay $0x2  }
0xe1: {  	v9 =	vmul.f32 v9, v2;
	_ =	sdelay $0x1  }
0xe2: {  	[tilespmem:v10+s12+$0x0] =	vst.idx.msk $0xffff, v9  }
0xe3: {  	v9 =	vld [tilespmem:s15+$0xFFFFFEA0];
	_ =	sdelay $0x1  }
0xe4: {  	v10 =	vadd.s32 s23, v7;
	_ =	sdelay $0x2  }
0xe5: {  	v9 =	vmul.f32 v9, v3;
	_ =	sdelay $0x1  }
0xe6: {  	[tilespmem:v10+s12+$0x0] =	vst.idx.msk $0xffff, v9  }
0xe7: {  	v9 =	vld [tilespmem:s15+$0xFFFFFEB0];
	_ =	sdelay $0x1  }
0xe8: {  	v10 =	vadd.s32 s23, v8;
	_ =	sdelay $0x2  }
0xe9: {  	v9 =	vmul.f32 v9, v4;
	_ =	sdelay $0x1  }
0xea: {  	[tilespmem:v10+s12+$0x0] =	vst.idx.msk $0xffff, v9  }
0xeb: {  	v9 =	vld [tilespmem:s15+$0xFFFFFF00];
	_ =	sdelay $0x1  }
0xec: {  	v10 =	vadd.s32 s22, v5;
	_ =	sdelay $0x2  }
0xed: {  	v9 =	vmul.f32 v9, v1;
	_ =	sdelay $0x1  }
0xee: {  	[tilespmem:v10+s12+$0x0] =	vst.idx.msk $0xffff, v9  }
0xef: {  	v9 =	vld [tilespmem:s15+$0xFFFFFF10];
	_ =	sdelay $0x1  }
0xf0: {  	v10 =	vadd.s32 s22, v6;
	_ =	sdelay $0x2  }
0xf1: {  	v9 =	vmul.f32 v9, v2;
	_ =	sdelay $0x1  }
0xf2: {  	[tilespmem:v10+s12+$0x0] =	vst.idx.msk $0xffff, v9  }
0xf3: {  	v9 =	vld [tilespmem:s15+$0xFFFFFF20];
	_ =	sdelay $0x1  }
0xf4: {  	v10 =	vadd.s32 s22, v7;
	_ =	sdelay $0x2  }
0xf5: {  	v9 =	vmul.f32 v9, v3;
	_ =	sdelay $0x1  }
0xf6: {  	[tilespmem:v10+s12+$0x0] =	vst.idx.msk $0xffff, v9  }
0xf7: {  	v9 =	vld [tilespmem:s15+$0xFFFFFF30];
	_ =	sdelay $0x1  }
0xf8: {  	v10 =	vadd.s32 s22, v8;
	_ =	sdelay $0x2  }
0xf9: {  	v9 =	vmul.f32 v9, v4;
	_ =	sdelay $0x1  }
0xfa: {  	[tilespmem:v10+s12+$0x0] =	vst.idx.msk $0xffff, v9  }
0xfb: {  	v9 =	vld [tilespmem:s15+$0xFFFFFF80];
	_ =	sdelay $0x1  }
0xfc: {  	v10 =	vadd.s32 s21, v5;
	_ =	sdelay $0x2  }
0xfd: {  	v9 =	vmul.f32 v9, v1;
	_ =	sdelay $0x1  }
0xfe: {  	[tilespmem:v10+s12+$0x0] =	vst.idx.msk $0xffff, v9  }
0xff: {  	v9 =	vld [tilespmem:s15+$0xFFFFFF90];
	_ =	sdelay $0x1  }
0x100: {  	v10 =	vadd.s32 s21, v6;
	_ =	sdelay $0x2  }
0x101: {  	v9 =	vmul.f32 v9, v2;
	_ =	sdelay $0x1  }
0x102: {  	[tilespmem:v10+s12+$0x0] =	vst.idx.msk $0xffff, v9  }
0x103: {  	v9 =	vld [tilespmem:s15+$0xFFFFFFA0];
	_ =	sdelay $0x1  }
0x104: {  	v10 =	vadd.s32 s21, v7;
	_ =	sdelay $0x2  }
0x105: {  	v9 =	vmul.f32 v9, v3;
	_ =	sdelay $0x1  }
0x106: {  	[tilespmem:v10+s12+$0x0] =	vst.idx.msk $0xffff, v9  }
0x107: {  	v9 =	vld [tilespmem:s15+$0xFFFFFFB0];
	_ =	sdelay $0x1  }
0x108: {  	v10 =	vadd.s32 s21, v8;
	_ =	sdelay $0x2  }
0x109: {  	v9 =	vmul.f32 v9, v4;
	_ =	sdelay $0x1  }
0x10a: {  	[tilespmem:v10+s12+$0x0] =	vst.idx.msk $0xffff, v9  }
0x10b: {  	v9 =	vld [tilespmem:s15+$0x0];
	_ =	sdelay $0x1  }
0x10c: {  	v10 =	vadd.s32 s20, v5;
	_ =	sdelay $0x2  }
0x10d: {  	v9 =	vmul.f32 v9, v1;
	_ =	sdelay $0x1  }
0x10e: {  	[tilespmem:v10+s12+$0x0] =	vst.idx.msk $0xffff, v9  }
0x10f: {  	v9 =	vld [tilespmem:s15+$0x10];
	_ =	sdelay $0x1  }
0x110: {  	v10 =	vadd.s32 s20, v6;
	_ =	sdelay $0x2  }
0x111: {  	v9 =	vmul.f32 v9, v2;
	_ =	sdelay $0x1  }
0x112: {  	[tilespmem:v10+s12+$0x0] =	vst.idx.msk $0xffff, v9  }
0x113: {  	v9 =	vld [tilespmem:s15+$0x20];
	_ =	sdelay $0x1  }
0x114: {  	v10 =	vadd.s32 s20, v7;
	_ =	sdelay $0x2  }
0x115: {  	v9 =	vmul.f32 v9, v3;
	_ =	sdelay $0x1  }
0x116: {  	[tilespmem:v10+s12+$0x0] =	vst.idx.msk $0xffff, v9  }
0x117: {  	v9 =	vld [tilespmem:s15+$0x30];
	_ =	sdelay $0x1  }
0x118: {  	v10 =	vadd.s32 s20, v8;
	_ =	sdelay $0x2  }
0x119: {  	v9 =	vmul.f32 v9, v4;
	_ =	sdelay $0x1  }
0x11a: {  	[tilespmem:v10+s12+$0x0] =	vst.idx.msk $0xffff, v9  }
0x11b: {  	v9 =	vld [tilespmem:s15+$0x80];
	_ =	sdelay $0x1  }
0x11c: {  	v10 =	vadd.s32 s19, v5;
	_ =	sdelay $0x2  }
0x11d: {  	v9 =	vmul.f32 v9, v1;
	_ =	sdelay $0x1  }
0x11e: {  	[tilespmem:v10+s12+$0x0] =	vst.idx.msk $0xffff, v9  }
0x11f: {  	v9 =	vld [tilespmem:s15+$0x90];
	_ =	sdelay $0x1  }
0x120: {  	v10 =	vadd.s32 s19, v6;
	_ =	sdelay $0x2  }
0x121: {  	v9 =	vmul.f32 v9, v2;
	_ =	sdelay $0x1  }
0x122: {  	[tilespmem:v10+s12+$0x0] =	vst.idx.msk $0xffff, v9  }
0x123: {  	v9 =	vld [tilespmem:s15+$0xA0];
	_ =	sdelay $0x1  }
0x124: {  	v10 =	vadd.s32 s19, v7;
	_ =	sdelay $0x2  }
0x125: {  	v9 =	vmul.f32 v9, v3;
	_ =	sdelay $0x1  }
0x126: {  	[tilespmem:v10+s12+$0x0] =	vst.idx.msk $0xffff, v9  }
0x127: {  	v9 =	vld [tilespmem:s15+$0xB0];
	_ =	sdelay $0x1  }
0x128: {  	v10 =	vadd.s32 s19, v8;
	_ =	sdelay $0x2  }
0x129: {  	v9 =	vmul.f32 v9, v4;
	_ =	sdelay $0x1  }
0x12a: {  	[tilespmem:v10+s12+$0x0] =	vst.idx.msk $0xffff, v9  }
0x12b: {  	v9 =	vld [tilespmem:s15+$0x100];
	_ =	sdelay $0x1  }
0x12c: {  	v10 =	vadd.s32 s18, v5;
	_ =	sdelay $0x2  }
0x12d: {  	v9 =	vmul.f32 v9, v1;
	_ =	sdelay $0x1  }
0x12e: {  	[tilespmem:v10+s12+$0x0] =	vst.idx.msk $0xffff, v9  }
0x12f: {  	v9 =	vld [tilespmem:s15+$0x110];
	_ =	sdelay $0x1  }
0x130: {  	v10 =	vadd.s32 s18, v6;
	_ =	sdelay $0x2  }
0x131: {  	v9 =	vmul.f32 v9, v2;
	_ =	sdelay $0x1  }
0x132: {  	[tilespmem:v10+s12+$0x0] =	vst.idx.msk $0xffff, v9  }
0x133: {  	v9 =	vld [tilespmem:s15+$0x120];
	_ =	sdelay $0x1  }
0x134: {  	v10 =	vadd.s32 s18, v7;
	_ =	sdelay $0x2  }
0x135: {  	v9 =	vmul.f32 v9, v3;
	_ =	sdelay $0x1  }
0x136: {  	[tilespmem:v10+s12+$0x0] =	vst.idx.msk $0xffff, v9  }
0x137: {  	v9 =	vld [tilespmem:s15+$0x130];
	_ =	sdelay $0x1  }
0x138: {  	v10 =	vadd.s32 s18, v8;
	_ =	sdelay $0x2  }
0x139: {  	v9 =	vmul.f32 v9, v4;
	_ =	sdelay $0x1  }
0x13a: {  	[tilespmem:v10+s12+$0x0] =	vst.idx.msk $0xffff, v9  }
0x13b: {  	v9 =	vld [tilespmem:s15+$0x180];
	_ =	sdelay $0x1  }
0x13c: {  	v10 =	vadd.s32 s17, v5;
	_ =	sdelay $0x2  }
0x13d: {  	v9 =	vmul.f32 v9, v1;
	_ =	sdelay $0x1  }
0x13e: {  	[tilespmem:v10+s12+$0x0] =	vst.idx.msk $0xffff, v9  }
0x13f: {  	v9 =	vld [tilespmem:s15+$0x190];
	_ =	sdelay $0x1  }
0x140: {  	v10 =	vadd.s32 s17, v6;
	_ =	sdelay $0x2  }
0x141: {  	v9 =	vmul.f32 v9, v2;
	_ =	sdelay $0x1  }
0x142: {  	[tilespmem:v10+s12+$0x0] =	vst.idx.msk $0xffff, v9  }
0x143: {  	v9 =	vld [tilespmem:s15+$0x1A0];
	_ =	sdelay $0x1  }
0x144: {  	v10 =	vadd.s32 s17, v7;
	_ =	sdelay $0x2  }
0x145: {  	v9 =	vmul.f32 v9, v3;
	_ =	sdelay $0x1  }
0x146: {  	[tilespmem:v10+s12+$0x0] =	vst.idx.msk $0xffff, v9  }
0x147: {  	v10 =	vld [tilespmem:s15+$0x1B0]  }
.Ltmp1:
0x148: {  	(pc) =	sbr.rel @p0 .LBB2_4-.Ltmp1, $2  }
0x149: {  	v9 =	vadd.s32 s17, v8;
	_ =	sdelay $0x2  }
0x14a: {  	v10 =	vmul.f32 v10, v4  }
0x14b: {  	_ =	sdelay $0x1  }
0x14c: {  	s14 =	sadd.s32 $0x1, s14  }
0x14d: {  	p0 =	sne.s32 s14, s7  }
.Ltmp2:
0x14e: {  	[tilespmem:v9+s12+$0x0] =	vst.idx.msk $0xffff, v10;
	(pc) =	sbr.rel @p0 .LBB2_1-.Ltmp2, $4  }
0x14f: {  	[hbm4b:s6+s4] =	stream.linear.scatter [tilespmem:s12], [sflag:$0x2], $0x2000, $0x38;
	[tilespmem:$0x6100] =	vst v63  }
0x150: {  	_ =	swait.ge [sflag:s13], $0x2000  }
0x151: {  	[sflag:s13] =	ssyncset.done $0x0  }
0x152: {  	[sflag:s13] =	ssyncadd.s32 $0xFFFFE000  }
0x153: {  	_ =	sfence.sel $0x180000  }
0x154: {  	[bflag:$0x0] =	sbarrier.arrive $0xFFFF  }
0x155: {  	p0 =	sne.s32 s1, $0x0;
	_ =	strace $0x90000047  }
0x156: {  	s0 =	sadd.s32 @!p0 $0x100000, s0;
	[bflag:$0x2] =	sbarrier.arrive $0xFFFF  }
0x157: {  	[sflag:s0] =	ssyncadd.tile.s32 @!p0 $0x1;
	_ =	shalt  }
.Lfunc_end2:
_tile_overlayer_lowered:
.L_overlay_start_2:
0x158: {  	(tag) =	ssettag $0x2  }
0x159: {  	s0 =	rddreg [dreg:$0x0];
	s2 =	stileid.u32  }
0x15a: {  	s1 =	rddreg [dreg:$0x1];
	p0 =	sne.s32 s2, $0x0  }
0x15b: {  	s3 =	rddreg [dreg:$0x2];
	[bflag:$0x3] =	sbarrier.arrive $0xFFFF;
	s2 =	simm.s32 @!p0 $0x1C03  }
0x15c: {  	[timem:s3], [sflag:s2] =	dma.local @!p0 [hbm:s0], s1  }
0x15d: {  	s0 =	simm.s32 @!p0 $0x3  }
0x15e: {  	_ =	swait.ge @!p0 [sflag:s0], s1  }
0x15f: {  	s1 =	ssub.s32 @!p0 $0x0, s1;
	[sflag:s0] =	ssyncset.done @!p0 $0x0  }
0x160: {  	[sflag:s0] =	ssyncadd.s32 @!p0 s1  }
0x161: {  	[bflag:$0x3] =	sbarrier.arrive $0xFFFF  }
0x162: {  	_ =	shalt  }

</sc_bundles>
